<compile_context>
chip_gen: v7x
topology: tpu7x:2x2x1
jax: 0.10.2.dev20260603
libtpu: 0.0.44.dev20260713+nightly
codegen_flags: <defaults>
</compile_context>

<pallas_src>
import jax
import jax.numpy as jnp
from jax.experimental import pallas as pl
from jax.experimental.pallas import tpu as pltpu
import jax.experimental.pallas.tpu_sc as plsc

N_EXPERTS = 4
HIDDEN = 16
TOP_K = 2
NUM_QUERIES = 100
NUM_CLASSES = 92
QC = NUM_QUERIES * NUM_CLASSES
FEAT = 588
HALF = 2304
LGW = 4 * HALF

POOL_G = 4
POOL_ROWS = 10752 // POOL_G


def _pool_body(x_ref, o_ref):
    X = x_ref[...]
    S = jnp.sum(X.reshape(POOL_ROWS // 16, 16, 224), axis=1)
    r224 = jax.lax.broadcasted_iota(jnp.int32, (224, 14), 0)
    c14 = jax.lax.broadcasted_iota(jnp.int32, (224, 14), 1)
    Bm = jnp.where(r224 // 16 == c14, 1.0 / 256.0, 0.0).astype(jnp.float32)
    o_ref[...] = jnp.dot(S, Bm, preferred_element_type=jnp.float32)


def _expert_body(f_ref, wl_ref, bl_ref, lg_ref, c0_ref):
    i = pl.program_id(0)
    k = pl.program_id(1)
    B = f_ref.shape[0]
    res = jnp.dot(f_ref[...], wl_ref[0],
                  preferred_element_type=jnp.float32)
    lg_ref[pl.ds(i * B, B), pl.ds(k * HALF, HALF)] = res
    lane = jax.lax.broadcasted_iota(jnp.int32, (1, HALF), 1) + k * HALF
    mrow = jnp.where((lane % NUM_CLASSES == 0) & (lane < QC),
                     1.0, 0.0)
    part_row = jax.lax.dot_general(mrow, res, (((1,), (1,)), ((), ())),
                                   preferred_element_type=jnp.float32)
    row = jax.lax.broadcasted_iota(jnp.int32, (8, B), 0)
    upd = jnp.where(row == i, part_row, 0.0)

    @pl.when((i == 0) & (k == 0))
    def _init():
        bl2d = bl_ref[...]
        blane = jax.lax.broadcasted_iota(jnp.int32, (1, QC), 1)
        bmask = jnp.where(blane % NUM_CLASSES == 0, 1.0, 0.0)
        bvec = jax.lax.dot_general(bl2d, bmask, (((1,), (1,)), ((), ())),
                                   preferred_element_type=jnp.float32)
        bias = jnp.concatenate(
            [bvec * jnp.ones((1, B), jnp.float32),
             jnp.zeros((8 - N_EXPERTS, B), jnp.float32)], axis=0)
        c0_ref[...] = upd + bias

    @pl.when((i > 0) | (k > 0))
    def _acc():
        c0_ref[...] += upd


def _route_sc_body(c0_hbm, w1_hbm, b1_hbm, w2_hbm, b2_hbm,
                   ep_hbm, nw_hbm, ti_hbm, fp_hbm,
                   c0_v, w1_v, b1_v, w2_v, b2_v, out_v, sem_in, sem_out):
    c = jax.lax.axis_index("c")
    s = jax.lax.axis_index("s")

    @pl.when((c == 0) & (s == 0))
    def _():
        pltpu.make_async_copy(c0_hbm, c0_v, sem_in).start()
        pltpu.make_async_copy(w1_hbm, w1_v, sem_in).start()
        pltpu.make_async_copy(b1_hbm, b1_v, sem_in).start()
        pltpu.make_async_copy(w2_hbm, w2_v, sem_in).start()
        pltpu.make_async_copy(b2_hbm, b2_v, sem_in).start()
        pltpu.make_async_copy(c0_hbm, c0_v, sem_in).wait()
        pltpu.make_async_copy(w1_hbm, w1_v, sem_in).wait()
        pltpu.make_async_copy(b1_hbm, b1_v, sem_in).wait()
        pltpu.make_async_copy(w2_hbm, w2_v, sem_in).wait()
        pltpu.make_async_copy(b2_hbm, b2_v, sem_in).wait()

        inv_q = 1.0 / NUM_QUERIES
        ep = []
        for e in range(N_EXPERTS):
            x = c0_v[e] * inv_q
            ep.append(1.0 / (1.0 + jnp.exp(-x)))
        h = []
        for j in range(HIDDEN):
            acc = b1_v[j]
            for e in range(N_EXPERTS):
                acc = acc + ep[e] * w1_v[e * HIDDEN + j]
            h.append(jnp.maximum(acc, 0.0))
        z = []
        for e in range(N_EXPERTS):
            acc = b2_v[e]
            for j in range(HIDDEN):
                acc = acc + h[j] * w2_v[j * N_EXPERTS + e]
            z.append(acc)
        zmax = jnp.maximum(jnp.maximum(z[0], z[1]), jnp.maximum(z[2], z[3]))
        ez = [jnp.exp(zz - zmax) for zz in z]
        ssum = ez[0] + ez[1] + ez[2] + ez[3]
        w = [e_ / ssum for e_ in ez]

        m1 = jnp.maximum(jnp.maximum(w[0], w[1]), jnp.maximum(w[2], w[3]))
        i1 = jnp.full((16,), N_EXPERTS, jnp.int32)
        for e in range(N_EXPERTS - 1, -1, -1):
            i1 = jnp.where(w[e] == m1, jnp.full((16,), e, jnp.int32), i1)
        wx = [jnp.where(i1 == e, jnp.full((16,), -1.0, jnp.float32), w[e])
              for e in range(N_EXPERTS)]
        m2 = jnp.maximum(jnp.maximum(wx[0], wx[1]), jnp.maximum(wx[2], wx[3]))
        i2 = jnp.full((16,), N_EXPERTS, jnp.int32)
        for e in range(N_EXPERTS - 1, -1, -1):
            i2 = jnp.where(wx[e] == m2, jnp.full((16,), e, jnp.int32), i2)

        nw = [jnp.where((i1 == e) | (i2 == e), w[e],
                        jnp.zeros((16,), jnp.float32))
              for e in range(N_EXPERTS)]
        nsum = nw[0] + nw[1] + nw[2] + nw[3] + 1e-8
        nw = [n / nsum for n in nw]
        fp = nw[0] * ep[0] + nw[1] * ep[1] + nw[2] * ep[2] + nw[3] * ep[3]

        for e in range(N_EXPERTS):
            out_v[e] = ep[e]
            out_v[N_EXPERTS + e] = nw[e]
        out_v[2 * N_EXPERTS] = jax.lax.bitcast_convert_type(i1, jnp.float32)
        out_v[2 * N_EXPERTS + 1] = jax.lax.bitcast_convert_type(i2, jnp.float32)
        out_v[2 * N_EXPERTS + 2] = fp

        pltpu.make_async_copy(out_v.at[pl.ds(0, N_EXPERTS)],
                              ep_hbm, sem_out).start()
        pltpu.make_async_copy(out_v.at[pl.ds(N_EXPERTS, N_EXPERTS)],
                              nw_hbm, sem_out).start()
        pltpu.make_async_copy(out_v.at[pl.ds(2 * N_EXPERTS, TOP_K)],
                              ti_hbm, sem_out).start()
        pltpu.make_async_copy(out_v.at[pl.ds(2 * N_EXPERTS + 2, 1)],
                              fp_hbm, sem_out).start()
        pltpu.make_async_copy(out_v.at[pl.ds(0, N_EXPERTS)],
                              ep_hbm, sem_out).wait()
        pltpu.make_async_copy(out_v.at[pl.ds(N_EXPERTS, N_EXPERTS)],
                              nw_hbm, sem_out).wait()
        pltpu.make_async_copy(out_v.at[pl.ds(2 * N_EXPERTS, TOP_K)],
                              ti_hbm, sem_out).wait()
        pltpu.make_async_copy(out_v.at[pl.ds(2 * N_EXPERTS + 2, 1)],
                              fp_hbm, sem_out).wait()


def _combine_body(lg_ref, nwt_ref, bl_ref, f_ref, wb_ref, bb_ref,
                  comb_ref, box_ref):
    B = f_ref.shape[0]
    nw = nwt_ref[...].T
    comb = jnp.dot(nw, bl_ref[...], preferred_element_type=jnp.float32)
    for e in range(N_EXPERTS):
        comb = comb + nw[:, e:e + 1] * lg_ref[e * B:(e + 1) * B, 0:QC]
    comb_ref[...] = comb
    bx = jnp.dot(f_ref[...], wb_ref[...], preferred_element_type=jnp.float32)
    box_ref[...] = jax.nn.sigmoid(bx + bb_ref[...])


def kernel(pixel_values, Wl, bl, Wb, bb, W1, b1, W2, b2):
    B = pixel_values.shape[0]
    BC = B * 3

    x = pixel_values.reshape(BC * 224, 224)
    pooled = pl.pallas_call(
        _pool_body,
        grid=(POOL_G,),
        in_specs=[pl.BlockSpec((POOL_ROWS, 224), lambda i: (i, 0))],
        out_specs=pl.BlockSpec((POOL_ROWS // 16, 14), lambda i: (i, 0)),
        out_shape=jax.ShapeDtypeStruct((BC * 14, 14), jnp.float32),
    )(x)
    f = pooled.reshape(B, FEAT)

    const2 = lambda i, k: (0, 0)

    lg, c0 = pl.pallas_call(
        _expert_body,
        grid=(N_EXPERTS, 4),
        in_specs=[
            pl.BlockSpec((B, FEAT), const2),
            pl.BlockSpec((1, FEAT, HALF), lambda i, k: (i, 0, k)),
            pl.BlockSpec((N_EXPERTS, QC), const2),
        ],
        out_specs=[
            pl.BlockSpec((N_EXPERTS * B, LGW), const2),
            pl.BlockSpec((8, B), const2),
        ],
        out_shape=[
            jax.ShapeDtypeStruct((N_EXPERTS * B, LGW), jnp.float32),
            jax.ShapeDtypeStruct((8, B), jnp.float32),
        ],
    )(f, Wl, bl)

    route = pl.kernel(
        _route_sc_body,
        out_type=[
            jax.ShapeDtypeStruct((N_EXPERTS, B), jnp.float32),
            jax.ShapeDtypeStruct((N_EXPERTS, B), jnp.float32),
            jax.ShapeDtypeStruct((TOP_K, B), jnp.float32),
            jax.ShapeDtypeStruct((1, B), jnp.float32),
        ],
        mesh=plsc.VectorSubcoreMesh(core_axis_name="c", subcore_axis_name="s"),
        scratch_types=[
            pltpu.VMEM((8, B), jnp.float32),
            pltpu.VMEM((N_EXPERTS * HIDDEN, B), jnp.float32),
            pltpu.VMEM((HIDDEN, B), jnp.float32),
            pltpu.VMEM((HIDDEN * N_EXPERTS, B), jnp.float32),
            pltpu.VMEM((N_EXPERTS, B), jnp.float32),
            pltpu.VMEM((2 * N_EXPERTS + 3, B), jnp.float32),
            pltpu.SemaphoreType.DMA,
            pltpu.SemaphoreType.DMA,
        ],
    )
    W1b = jnp.broadcast_to(W1.reshape(N_EXPERTS, HIDDEN, 1),
                           (N_EXPERTS, HIDDEN, B)).reshape(N_EXPERTS * HIDDEN, B)
    b1b = jnp.broadcast_to(b1.reshape(HIDDEN, 1), (HIDDEN, B))
    W2b = jnp.broadcast_to(W2.reshape(HIDDEN, N_EXPERTS, 1),
                           (HIDDEN, N_EXPERTS, B)).reshape(HIDDEN * N_EXPERTS, B)
    b2b = jnp.broadcast_to(b2.reshape(N_EXPERTS, 1), (N_EXPERTS, B))
    ept, nwt, tit_f, fp = route(c0, W1b, b1b, W2b, b2b)
    ti = jax.lax.bitcast_convert_type(tit_f, jnp.int32)

    const0 = lambda: (0, 0)
    comb, box = pl.pallas_call(
        _combine_body,
        in_specs=[
            pl.BlockSpec((N_EXPERTS * B, LGW), const0),
            pl.BlockSpec((N_EXPERTS, B), const0),
            pl.BlockSpec((N_EXPERTS, QC), const0),
            pl.BlockSpec((B, FEAT), const0),
            pl.BlockSpec((FEAT, 4 * NUM_QUERIES), const0),
            pl.BlockSpec((1, 4 * NUM_QUERIES), const0),
        ],
        out_specs=[
            pl.BlockSpec((B, QC), const0),
            pl.BlockSpec((B, 4 * NUM_QUERIES), const0),
        ],
        out_shape=[
            jax.ShapeDtypeStruct((B, QC), jnp.float32),
            jax.ShapeDtypeStruct((B, 4 * NUM_QUERIES), jnp.float32),
        ],
    )(lg, nwt, bl, f, Wb[0], bb[0].reshape(1, 4 * NUM_QUERIES))

    combined_logits = comb.reshape(B, NUM_QUERIES, NUM_CLASSES)
    pred_boxes = box.reshape(B, NUM_QUERIES, 4)
    return (combined_logits, pred_boxes, fp.reshape(B), nwt.T, ept.T, ti.T)

# --- scband reference (transcript-rebuilt; emitter-appended) ---
"""Pipeline reference for scband-integrated-mo-e-43121471652234 (READ-ONLY COPY).

The authoritative reference and input builder live on the scoring server;
editing this copy changes nothing except your own understanding.
"""

import jax, jax.numpy as jnp
import numpy as np

N_EXPERTS = 4
HIDDEN = 16
TOP_K = 2
NUM_QUERIES = 100
NUM_CLASSES = 92
BATCH = 16
FEAT = 3 * 14 * 14  # 588, from 16x16 average pooling of 224x224x3


def setup_inputs(seed: int = 0) -> dict:
    key = jax.random.key(seed)
    ks = jax.random.split(key, 8)
    pixel_values = jax.random.normal(ks[0], (BATCH, 3, 224, 224), dtype=jnp.float32)
    # frozen expert detection heads (DETR-like): logits [Q, C] and boxes [Q, 4]
    Wl = jax.random.normal(ks[1], (N_EXPERTS, FEAT, NUM_QUERIES * NUM_CLASSES), dtype=jnp.float32) * 0.02
    bl = jnp.zeros((N_EXPERTS, NUM_QUERIES * NUM_CLASSES), dtype=jnp.float32)
    Wb = jax.random.normal(ks[2], (N_EXPERTS, FEAT, NUM_QUERIES * 4), dtype=jnp.float32) * 0.02
    bb = jnp.zeros((N_EXPERTS, NUM_QUERIES * 4), dtype=jnp.float32)
    # gating network params: Linear(n_models, hidden) -> ReLU -> Linear(hidden, n_models) -> Softmax
    W1 = jax.random.normal(ks[3], (N_EXPERTS, HIDDEN), dtype=jnp.float32) * 0.5
    b1 = jnp.zeros((HIDDEN,), dtype=jnp.float32)
    W2 = jax.random.normal(ks[4], (HIDDEN, N_EXPERTS), dtype=jnp.float32) * 0.5
    b2 = jnp.zeros((N_EXPERTS,), dtype=jnp.float32)
    return {"pixel_values": pixel_values, "Wl": Wl, "bl": bl, "Wb": Wb, "bb": bb,
            "W1": W1, "b1": b1, "W2": W2, "b2": b2}


def _run_experts(pixel_values, Wl, bl, Wb, bb):
    B = pixel_values.shape[0]
    # 16x16 average pooling of the image, flatten to feature vector [B, 588]
    f = pixel_values.reshape(B, 3, 14, 16, 14, 16).mean(axis=(3, 5)).reshape(B, FEAT)
    logits = jnp.einsum('bd,edq->ebq', f, Wl) + bl[:, None, :]
    logits = logits.reshape(N_EXPERTS, B, NUM_QUERIES, NUM_CLASSES)
    boxes = jax.nn.sigmoid(jnp.einsum('bd,edq->ebq', f, Wb) + bb[:, None, :])
    boxes = boxes.reshape(N_EXPERTS, B, NUM_QUERIES, 4)
    return logits, boxes


def reference(pixel_values, Wl, bl, Wb, bb, W1, b1, W2, b2):
    B = pixel_values.shape[0]
    expert_logits, expert_boxes = _run_experts(pixel_values, Wl, bl, Wb, bb)  # [E,B,Q,C], [E,B,Q,4]
    # expert_probs: sigmoid of mean over queries of class-0 logit
    expert_probs = jax.nn.sigmoid(expert_logits[..., 0].mean(axis=2)).T  # [B, E]
    # GatingNetwork: Linear -> ReLU -> Linear -> Softmax
    h = jax.nn.relu(expert_probs @ W1 + b1)
    weights = jax.nn.softmax(h @ W2 + b2, axis=-1)  # [B, E]
    _, top_indices = jax.lax.top_k(weights, TOP_K)  # [B, K]
    mask = jnp.zeros_like(weights).at[jnp.arange(B)[:, None], top_indices].set(1.0)
    masked_weights = weights * mask
    normalized_weights = masked_weights / (masked_weights.sum(axis=-1, keepdims=True) + 1e-08)
    # combine top-k expert logits: weights[b, top_indices[b,k]] * expert_logits[top_indices[b,k], b]
    logits_bE = jnp.transpose(expert_logits, (1, 0, 2, 3))  # [B, E, Q, C]
    gathered = jnp.take_along_axis(logits_bE, top_indices[:, :, None, None], axis=1)  # [B, K, Q, C]
    w_sel = jnp.take_along_axis(normalized_weights, top_indices, axis=1)  # [B, K]
    combined_logits = (w_sel[:, :, None, None] * gathered).sum(axis=1)  # [B, Q, C]
    final_pred = jnp.sum(normalized_weights * expert_probs, axis=1)  # [B]
    pred_boxes = expert_boxes[0]  # reference_output.pred_boxes (expert 0)
    return (combined_logits, pred_boxes, final_pred, normalized_weights, expert_probs, top_indices)

if __name__ == "__main__":
    import jax
    _d = setup_inputs()
    print(jax.jit(kernel)(*tuple(_d.values())))

</pallas_src>

<mosaic_0001>
#map = affine_map<(d0, d1) -> (0, 0)>
module attributes {stable_mosaic.version = 14 : i64} {
  func.func @_route_sc_body(%arg0: i32, %arg1: i32, %arg2: memref<8x16xf32, #tpu.memory_space<hbm>>, %arg3: memref<64x16xf32, #tpu.memory_space<hbm>>, %arg4: memref<16x16xf32, #tpu.memory_space<hbm>>, %arg5: memref<64x16xf32, #tpu.memory_space<hbm>>, %arg6: memref<4x16xf32, #tpu.memory_space<hbm>>, %arg7: memref<4x16xf32, #tpu.memory_space<hbm>>, %arg8: memref<4x16xf32, #tpu.memory_space<hbm>>, %arg9: memref<2x16xf32, #tpu.memory_space<hbm>>, %arg10: memref<1x16xf32, #tpu.memory_space<hbm>>, %arg11: memref<8x16xf32, #tpu.memory_space<vmem>>, %arg12: memref<64x16xf32, #tpu.memory_space<vmem>>, %arg13: memref<16x16xf32, #tpu.memory_space<vmem>>, %arg14: memref<64x16xf32, #tpu.memory_space<vmem>>, %arg15: memref<4x16xf32, #tpu.memory_space<vmem>>, %arg16: memref<11x16xf32, #tpu.memory_space<vmem>>, %arg17: memref<!tpu.dma_semaphore, #tpu.memory_space<semaphore_mem>>, %arg18: memref<!tpu.dma_semaphore, #tpu.memory_space<semaphore_mem>>) attributes {dimension_semantics = [#tpu.dimension_semantics<core_parallel>, #tpu.dimension_semantics<subcore_parallel>], iteration_bounds = array<i64: 2, 16>, scalar_prefetch = 0 : i64, scratch_operands = 8 : i64, tpu.core_type = #tpu.core_type<sc_vector_subcore>, window_params = [{transform_indices = #map}, {transform_indices = #map}, {transform_indices = #map}, {transform_indices = #map}, {transform_indices = #map}, {transform_indices = #map}, {transform_indices = #map}, {transform_indices = #map}, {transform_indices = #map}]} {
    %eq3A = arith.constant 0 : i32
    %eq3A_0 = arith.cmpi eq, %arg0, %eq3A : i32
    %eq3A_1 = arith.constant 0 : i32
    %eq3A_2 = arith.cmpi eq, %arg1, %eq3A_1 : i32
    %and3A = arith.andi %eq3A_0, %eq3A_2 : i1
    %convert_element_type3A = arith.extui %and3A : i1 to i32
    %cond3A = arith.constant 0 : i32
    %cond3A_3 = arith.cmpi ne, %convert_element_type3A, %cond3A : i32
    scf.if %cond3A_3 {
      tpu.enqueue_dma source(%arg2 : memref<8x16xf32, #tpu.memory_space<hbm>>) target(%arg11 : memref<8x16xf32, #tpu.memory_space<vmem>>) target_semaphore(%arg17 : memref<!tpu.dma_semaphore, #tpu.memory_space<semaphore_mem>>)
      tpu.enqueue_dma source(%arg3 : memref<64x16xf32, #tpu.memory_space<hbm>>) target(%arg12 : memref<64x16xf32, #tpu.memory_space<vmem>>) target_semaphore(%arg17 : memref<!tpu.dma_semaphore, #tpu.memory_space<semaphore_mem>>)
      tpu.enqueue_dma source(%arg4 : memref<16x16xf32, #tpu.memory_space<hbm>>) target(%arg13 : memref<16x16xf32, #tpu.memory_space<vmem>>) target_semaphore(%arg17 : memref<!tpu.dma_semaphore, #tpu.memory_space<semaphore_mem>>)
      tpu.enqueue_dma source(%arg5 : memref<64x16xf32, #tpu.memory_space<hbm>>) target(%arg14 : memref<64x16xf32, #tpu.memory_space<vmem>>) target_semaphore(%arg17 : memref<!tpu.dma_semaphore, #tpu.memory_space<semaphore_mem>>)
      tpu.enqueue_dma source(%arg6 : memref<4x16xf32, #tpu.memory_space<hbm>>) target(%arg15 : memref<4x16xf32, #tpu.memory_space<vmem>>) target_semaphore(%arg17 : memref<!tpu.dma_semaphore, #tpu.memory_space<semaphore_mem>>)
      tpu.wait_dma2 semaphore(%arg17 : memref<!tpu.dma_semaphore, #tpu.memory_space<semaphore_mem>>) src(%arg2 : memref<8x16xf32, #tpu.memory_space<hbm>>) dst(%arg11 : memref<8x16xf32, #tpu.memory_space<vmem>>)
      tpu.wait_dma2 semaphore(%arg17 : memref<!tpu.dma_semaphore, #tpu.memory_space<semaphore_mem>>) src(%arg3 : memref<64x16xf32, #tpu.memory_space<hbm>>) dst(%arg12 : memref<64x16xf32, #tpu.memory_space<vmem>>)
      tpu.wait_dma2 semaphore(%arg17 : memref<!tpu.dma_semaphore, #tpu.memory_space<semaphore_mem>>) src(%arg4 : memref<16x16xf32, #tpu.memory_space<hbm>>) dst(%arg13 : memref<16x16xf32, #tpu.memory_space<vmem>>)
      tpu.wait_dma2 semaphore(%arg17 : memref<!tpu.dma_semaphore, #tpu.memory_space<semaphore_mem>>) src(%arg5 : memref<64x16xf32, #tpu.memory_space<hbm>>) dst(%arg14 : memref<64x16xf32, #tpu.memory_space<vmem>>)
      tpu.wait_dma2 semaphore(%arg17 : memref<!tpu.dma_semaphore, #tpu.memory_space<semaphore_mem>>) src(%arg6 : memref<4x16xf32, #tpu.memory_space<hbm>>) dst(%arg15 : memref<4x16xf32, #tpu.memory_space<vmem>>)
      %get3A = arith.constant 0 : i32
      %get3A_4 = arith.index_cast %get3A : i32 to index
      %get3A_5 = arith.constant 0 : index
      %get3A_6 = tpu.vector_load %arg11[%get3A_4, %get3A_5] {strides = array<i32>} : memref<8x16xf32, #tpu.memory_space<vmem>>, vector<1x16xf32>,
      %get3A_7 = vector.shape_cast %get3A_6 : vector<1x16xf32> to vector<16xf32>
      %mul3A = arith.constant 0.00999999977 : f32
      %mul3A_8 = vector.broadcast %mul3A : f32 to vector<16xf32>
      %mul3A_9 = arith.mulf %get3A_7, %mul3A_8 : vector<16xf32>
      %neg3A = arith.constant 0.000000e+00 : f32
      %neg3A_10 = vector.broadcast %neg3A : f32 to vector<16xf32>
      %neg3A_11 = arith.subf %neg3A_10, %mul3A_9 : vector<16xf32>
      %exp3A = math.exp %neg3A_11 : vector<16xf32>
      %add3A = arith.constant 1.000000e+00 : f32
      %add3A_12 = vector.broadcast %add3A : f32 to vector<16xf32>
      %add3A_13 = arith.addf %add3A_12, %exp3A : vector<16xf32>
      %div3A = arith.constant 1.000000e+00 : f32
      %div3A_14 = vector.broadcast %div3A : f32 to vector<16xf32>
      %div3A_15 = arith.divf %div3A_14, %add3A_13 : vector<16xf32>
      %get3A_16 = arith.constant 1 : i32
      %get3A_17 = arith.index_cast %get3A_16 : i32 to index
      %get3A_18 = arith.constant 0 : index
      %get3A_19 = tpu.vector_load %arg11[%get3A_17, %get3A_18] {strides = array<i32>} : memref<8x16xf32, #tpu.memory_space<vmem>>, vector<1x16xf32>,
      %get3A_20 = vector.shape_cast %get3A_19 : vector<1x16xf32> to vector<16xf32>
      %mul3A_21 = arith.constant 0.00999999977 : f32
      %mul3A_22 = vector.broadcast %mul3A_21 : f32 to vector<16xf32>
      %mul3A_23 = arith.mulf %get3A_20, %mul3A_22 : vector<16xf32>
      %neg3A_24 = arith.constant 0.000000e+00 : f32
      %neg3A_25 = vector.broadcast %neg3A_24 : f32 to vector<16xf32>
      %neg3A_26 = arith.subf %neg3A_25, %mul3A_23 : vector<16xf32>
      %exp3A_27 = math.exp %neg3A_26 : vector<16xf32>
      %add3A_28 = arith.constant 1.000000e+00 : f32
      %add3A_29 = vector.broadcast %add3A_28 : f32 to vector<16xf32>
      %add3A_30 = arith.addf %add3A_29, %exp3A_27 : vector<16xf32>
      %div3A_31 = arith.constant 1.000000e+00 : f32
      %div3A_32 = vector.broadcast %div3A_31 : f32 to vector<16xf32>
      %div3A_33 = arith.divf %div3A_32, %add3A_30 : vector<16xf32>
      %get3A_34 = arith.constant 2 : i32
      %get3A_35 = arith.index_cast %get3A_34 : i32 to index
      %get3A_36 = arith.constant 0 : index
      %get3A_37 = tpu.vector_load %arg11[%get3A_35, %get3A_36] {strides = array<i32>} : memref<8x16xf32, #tpu.memory_space<vmem>>, vector<1x16xf32>,
      %get3A_38 = vector.shape_cast %get3A_37 : vector<1x16xf32> to vector<16xf32>
      %mul3A_39 = arith.constant 0.00999999977 : f32
      %mul3A_40 = vector.broadcast %mul3A_39 : f32 to vector<16xf32>
      %mul3A_41 = arith.mulf %get3A_38, %mul3A_40 : vector<16xf32>
      %neg3A_42 = arith.constant 0.000000e+00 : f32
      %neg3A_43 = vector.broadcast %neg3A_42 : f32 to vector<16xf32>
      %neg3A_44 = arith.subf %neg3A_43, %mul3A_41 : vector<16xf32>
      %exp3A_45 = math.exp %neg3A_44 : vector<16xf32>
      %add3A_46 = arith.constant 1.000000e+00 : f32
      %add3A_47 = vector.broadcast %add3A_46 : f32 to vector<16xf32>
      %add3A_48 = arith.addf %add3A_47, %exp3A_45 : vector<16xf32>
      %div3A_49 = arith.constant 1.000000e+00 : f32
      %div3A_50 = vector.broadcast %div3A_49 : f32 to vector<16xf32>
      %div3A_51 = arith.divf %div3A_50, %add3A_48 : vector<16xf32>
      %get3A_52 = arith.constant 3 : i32
      %get3A_53 = arith.index_cast %get3A_52 : i32 to index
      %get3A_54 = arith.constant 0 : index
      %get3A_55 = tpu.vector_load %arg11[%get3A_53, %get3A_54] {strides = array<i32>} : memref<8x16xf32, #tpu.memory_space<vmem>>, vector<1x16xf32>,
      %get3A_56 = vector.shape_cast %get3A_55 : vector<1x16xf32> to vector<16xf32>
      %mul3A_57 = arith.constant 0.00999999977 : f32
      %mul3A_58 = vector.broadcast %mul3A_57 : f32 to vector<16xf32>
      %mul3A_59 = arith.mulf %get3A_56, %mul3A_58 : vector<16xf32>
      %neg3A_60 = arith.constant 0.000000e+00 : f32
      %neg3A_61 = vector.broadcast %neg3A_60 : f32 to vector<16xf32>
      %neg3A_62 = arith.subf %neg3A_61, %mul3A_59 : vector<16xf32>
      %exp3A_63 = math.exp %neg3A_62 : vector<16xf32>
      %add3A_64 = arith.constant 1.000000e+00 : f32
      %add3A_65 = vector.broadcast %add3A_64 : f32 to vector<16xf32>
      %add3A_66 = arith.addf %add3A_65, %exp3A_63 : vector<16xf32>
      %div3A_67 = arith.constant 1.000000e+00 : f32
      %div3A_68 = vector.broadcast %div3A_67 : f32 to vector<16xf32>
      %div3A_69 = arith.divf %div3A_68, %add3A_66 : vector<16xf32>
      %get3A_70 = arith.constant 0 : i32
      %get3A_71 = arith.index_cast %get3A_70 : i32 to index
      %get3A_72 = arith.constant 0 : index
      %get3A_73 = tpu.vector_load %arg13[%get3A_71, %get3A_72] {strides = array<i32>} : memref<16x16xf32, #tpu.memory_space<vmem>>, vector<1x16xf32>,
      %get3A_74 = vector.shape_cast %get3A_73 : vector<1x16xf32> to vector<16xf32>
      %get3A_75 = arith.constant 0 : i32
      %get3A_76 = arith.index_cast %get3A_75 : i32 to index
      %get3A_77 = arith.constant 0 : index
      %get3A_78 = tpu.vector_load %arg12[%get3A_76, %get3A_77] {strides = array<i32>} : memref<64x16xf32, #tpu.memory_space<vmem>>, vector<1x16xf32>,
      %get3A_79 = vector.shape_cast %get3A_78 : vector<1x16xf32> to vector<16xf32>
      %mul3A_80 = arith.mulf %div3A_15, %get3A_79 : vector<16xf32>
      %add3A_81 = arith.addf %get3A_74, %mul3A_80 : vector<16xf32>
      %get3A_82 = arith.constant 16 : i32
      %get3A_83 = arith.index_cast %get3A_82 : i32 to index
      %get3A_84 = arith.constant 0 : index
      %get3A_85 = tpu.vector_load %arg12[%get3A_83, %get3A_84] {strides = array<i32>} : memref<64x16xf32, #tpu.memory_space<vmem>>, vector<1x16xf32>,
      %get3A_86 = vector.shape_cast %get3A_85 : vector<1x16xf32> to vector<16xf32>
      %mul3A_87 = arith.mulf %div3A_33, %get3A_86 : vector<16xf32>
      %add3A_88 = arith.addf %add3A_81, %mul3A_87 : vector<16xf32>
      %get3A_89 = arith.constant 32 : i32
      %get3A_90 = arith.index_cast %get3A_89 : i32 to index
      %get3A_91 = arith.constant 0 : index
      %get3A_92 = tpu.vector_load %arg12[%get3A_90, %get3A_91] {strides = array<i32>} : memref<64x16xf32, #tpu.memory_space<vmem>>, vector<1x16xf32>,
      %get3A_93 = vector.shape_cast %get3A_92 : vector<1x16xf32> to vector<16xf32>
      %mul3A_94 = arith.mulf %div3A_51, %get3A_93 : vector<16xf32>
      %add3A_95 = arith.addf %add3A_88, %mul3A_94 : vector<16xf32>
      %get3A_96 = arith.constant 48 : i32
      %get3A_97 = arith.index_cast %get3A_96 : i32 to index
      %get3A_98 = arith.constant 0 : index
      %get3A_99 = tpu.vector_load %arg12[%get3A_97, %get3A_98] {strides = array<i32>} : memref<64x16xf32, #tpu.memory_space<vmem>>, vector<1x16xf32>,
      %get3A_100 = vector.shape_cast %get3A_99 : vector<1x16xf32> to vector<16xf32>
      %mul3A_101 = arith.mulf %div3A_69, %get3A_100 : vector<16xf32>
      %add3A_102 = arith.addf %add3A_95, %mul3A_101 : vector<16xf32>
      %max3A = arith.constant 0.000000e+00 : f32
      %max3A_103 = vector.broadcast %max3A : f32 to vector<16xf32>
      %max3A_104 = arith.maximumf %add3A_102, %max3A_103 : vector<16xf32>
      %get3A_105 = arith.constant 1 : i32
      %get3A_106 = arith.index_cast %get3A_105 : i32 to index
      %get3A_107 = arith.constant 0 : index
      %get3A_108 = tpu.vector_load %arg13[%get3A_106, %get3A_107] {strides = array<i32>} : memref<16x16xf32, #tpu.memory_space<vmem>>, vector<1x16xf32>,
      %get3A_109 = vector.shape_cast %get3A_108 : vector<1x16xf32> to vector<16xf32>
      %get3A_110 = arith.constant 1 : i32
      %get3A_111 = arith.index_cast %get3A_110 : i32 to index
      %get3A_112 = arith.constant 0 : index
      %get3A_113 = tpu.vector_load %arg12[%get3A_111, %get3A_112] {strides = array<i32>} : memref<64x16xf32, #tpu.memory_space<vmem>>, vector<1x16xf32>,
      %get3A_114 = vector.shape_cast %get3A_113 : vector<1x16xf32> to vector<16xf32>
      %mul3A_115 = arith.mulf %div3A_15, %get3A_114 : vector<16xf32>
      %add3A_116 = arith.addf %get3A_109, %mul3A_115 : vector<16xf32>
      %get3A_117 = arith.constant 17 : i32
      %get3A_118 = arith.index_cast %get3A_117 : i32 to index
      %get3A_119 = arith.constant 0 : index
      %get3A_120 = tpu.vector_load %arg12[%get3A_118, %get3A_119] {strides = array<i32>} : memref<64x16xf32, #tpu.memory_space<vmem>>, vector<1x16xf32>,
      %get3A_121 = vector.shape_cast %get3A_120 : vector<1x16xf32> to vector<16xf32>
      %mul3A_122 = arith.mulf %div3A_33, %get3A_121 : vector<16xf32>
      %add3A_123 = arith.addf %add3A_116, %mul3A_122 : vector<16xf32>
      %get3A_124 = arith.constant 33 : i32
      %get3A_125 = arith.index_cast %get3A_124 : i32 to index
      %get3A_126 = arith.constant 0 : index
      %get3A_127 = tpu.vector_load %arg12[%get3A_125, %get3A_126] {strides = array<i32>} : memref<64x16xf32, #tpu.memory_space<vmem>>, vector<1x16xf32>,
      %get3A_128 = vector.shape_cast %get3A_127 : vector<1x16xf32> to vector<16xf32>
      %mul3A_129 = arith.mulf %div3A_51, %get3A_128 : vector<16xf32>
      %add3A_130 = arith.addf %add3A_123, %mul3A_129 : vector<16xf32>
      %get3A_131 = arith.constant 49 : i32
      %get3A_132 = arith.index_cast %get3A_131 : i32 to index
      %get3A_133 = arith.constant 0 : index
      %get3A_134 = tpu.vector_load %arg12[%get3A_132, %get3A_133] {strides = array<i32>} : memref<64x16xf32, #tpu.memory_space<vmem>>, vector<1x16xf32>,
      %get3A_135 = vector.shape_cast %get3A_134 : vector<1x16xf32> to vector<16xf32>
      %mul3A_136 = arith.mulf %div3A_69, %get3A_135 : vector<16xf32>
      %add3A_137 = arith.addf %add3A_130, %mul3A_136 : vector<16xf32>
      %max3A_138 = arith.constant 0.000000e+00 : f32
      %max3A_139 = vector.broadcast %max3A_138 : f32 to vector<16xf32>
      %max3A_140 = arith.maximumf %add3A_137, %max3A_139 : vector<16xf32>
      %get3A_141 = arith.constant 2 : i32
      %get3A_142 = arith.index_cast %get3A_141 : i32 to index
      %get3A_143 = arith.constant 0 : index
      %get3A_144 = tpu.vector_load %arg13[%get3A_142, %get3A_143] {strides = array<i32>} : memref<16x16xf32, #tpu.memory_space<vmem>>, vector<1x16xf32>,
      %get3A_145 = vector.shape_cast %get3A_144 : vector<1x16xf32> to vector<16xf32>
      %get3A_146 = arith.constant 2 : i32
      %get3A_147 = arith.index_cast %get3A_146 : i32 to index
      %get3A_148 = arith.constant 0 : index
      %get3A_149 = tpu.vector_load %arg12[%get3A_147, %get3A_148] {strides = array<i32>} : memref<64x16xf32, #tpu.memory_space<vmem>>, vector<1x16xf32>,
      %get3A_150 = vector.shape_cast %get3A_149 : vector<1x16xf32> to vector<16xf32>
      %mul3A_151 = arith.mulf %div3A_15, %get3A_150 : vector<16xf32>
      %add3A_152 = arith.addf %get3A_145, %mul3A_151 : vector<16xf32>
      %get3A_153 = arith.constant 18 : i32
      %get3A_154 = arith.index_cast %get3A_153 : i32 to index
      %get3A_155 = arith.constant 0 : index
      %get3A_156 = tpu.vector_load %arg12[%get3A_154, %get3A_155] {strides = array<i32>} : memref<64x16xf32, #tpu.memory_space<vmem>>, vector<1x16xf32>,
      %get3A_157 = vector.shape_cast %get3A_156 : vector<1x16xf32> to vector<16xf32>
      %mul3A_158 = arith.mulf %div3A_33, %get3A_157 : vector<16xf32>
      %add3A_159 = arith.addf %add3A_152, %mul3A_158 : vector<16xf32>
      %get3A_160 = arith.constant 34 : i32
      %get3A_161 = arith.index_cast %get3A_160 : i32 to index
      %get3A_162 = arith.constant 0 : index
      %get3A_163 = tpu.vector_load %arg12[%get3A_161, %get3A_162] {strides = array<i32>} : memref<64x16xf32, #tpu.memory_space<vmem>>, vector<1x16xf32>,
      %get3A_164 = vector.shape_cast %get3A_163 : vector<1x16xf32> to vector<16xf32>
      %mul3A_165 = arith.mulf %div3A_51, %get3A_164 : vector<16xf32>
      %add3A_166 = arith.addf %add3A_159, %mul3A_165 : vector<16xf32>
      %get3A_167 = arith.constant 50 : i32
      %get3A_168 = arith.index_cast %get3A_167 : i32 to index
      %get3A_169 = arith.constant 0 : index
      %get3A_170 = tpu.vector_load %arg12[%get3A_168, %get3A_169] {strides = array<i32>} : memref<64x16xf32, #tpu.memory_space<vmem>>, vector<1x16xf32>,
      %get3A_171 = vector.shape_cast %get3A_170 : vector<1x16xf32> to vector<16xf32>
      %mul3A_172 = arith.mulf %div3A_69, %get3A_171 : vector<16xf32>
      %add3A_173 = arith.addf %add3A_166, %mul3A_172 : vector<16xf32>
      %max3A_174 = arith.constant 0.000000e+00 : f32
      %max3A_175 = vector.broadcast %max3A_174 : f32 to vector<16xf32>
      %max3A_176 = arith.maximumf %add3A_173, %max3A_175 : vector<16xf32>
      %get3A_177 = arith.constant 3 : i32
      %get3A_178 = arith.index_cast %get3A_177 : i32 to index
      %get3A_179 = arith.constant 0 : index
      %get3A_180 = tpu.vector_load %arg13[%get3A_178, %get3A_179] {strides = array<i32>} : memref<16x16xf32, #tpu.memory_space<vmem>>, vector<1x16xf32>,
      %get3A_181 = vector.shape_cast %get3A_180 : vector<1x16xf32> to vector<16xf32>
      %get3A_182 = arith.constant 3 : i32
      %get3A_183 = arith.index_cast %get3A_182 : i32 to index
      %get3A_184 = arith.constant 0 : index
      %get3A_185 = tpu.vector_load %arg12[%get3A_183, %get3A_184] {strides = array<i32>} : memref<64x16xf32, #tpu.memory_space<vmem>>, vector<1x16xf32>,
      %get3A_186 = vector.shape_cast %get3A_185 : vector<1x16xf32> to vector<16xf32>
      %mul3A_187 = arith.mulf %div3A_15, %get3A_186 : vector<16xf32>
      %add3A_188 = arith.addf %get3A_181, %mul3A_187 : vector<16xf32>
      %get3A_189 = arith.constant 19 : i32
      %get3A_190 = arith.index_cast %get3A_189 : i32 to index
      %get3A_191 = arith.constant 0 : index
      %get3A_192 = tpu.vector_load %arg12[%get3A_190, %get3A_191] {strides = array<i32>} : memref<64x16xf32, #tpu.memory_space<vmem>>, vector<1x16xf32>,
      %get3A_193 = vector.shape_cast %get3A_192 : vector<1x16xf32> to vector<16xf32>
      %mul3A_194 = arith.mulf %div3A_33, %get3A_193 : vector<16xf32>
      %add3A_195 = arith.addf %add3A_188, %mul3A_194 : vector<16xf32>
      %get3A_196 = arith.constant 35 : i32
      %get3A_197 = arith.index_cast %get3A_196 : i32 to index
      %get3A_198 = arith.constant 0 : index
      %get3A_199 = tpu.vector_load %arg12[%get3A_197, %get3A_198] {strides = array<i32>} : memref<64x16xf32, #tpu.memory_space<vmem>>, vector<1x16xf32>,
      %get3A_200 = vector.shape_cast %get3A_199 : vector<1x16xf32> to vector<16xf32>
      %mul3A_201 = arith.mulf %div3A_51, %get3A_200 : vector<16xf32>
      %add3A_202 = arith.addf %add3A_195, %mul3A_201 : vector<16xf32>
      %get3A_203 = arith.constant 51 : i32
      %get3A_204 = arith.index_cast %get3A_203 : i32 to index
      %get3A_205 = arith.constant 0 : index
      %get3A_206 = tpu.vector_load %arg12[%get3A_204, %get3A_205] {strides = array<i32>} : memref<64x16xf32, #tpu.memory_space<vmem>>, vector<1x16xf32>,
      %get3A_207 = vector.shape_cast %get3A_206 : vector<1x16xf32> to vector<16xf32>
      %mul3A_208 = arith.mulf %div3A_69, %get3A_207 : vector<16xf32>
      %add3A_209 = arith.addf %add3A_202, %mul3A_208 : vector<16xf32>
      %max3A_210 = arith.constant 0.000000e+00 : f32
      %max3A_211 = vector.broadcast %max3A_210 : f32 to vector<16xf32>
      %max3A_212 = arith.maximumf %add3A_209, %max3A_211 : vector<16xf32>
      %get3A_213 = arith.constant 4 : i32
      %get3A_214 = arith.index_cast %get3A_213 : i32 to index
      %get3A_215 = arith.constant 0 : index
      %get3A_216 = tpu.vector_load %arg13[%get3A_214, %get3A_215] {strides = array<i32>} : memref<16x16xf32, #tpu.memory_space<vmem>>, vector<1x16xf32>,
      %get3A_217 = vector.shape_cast %get3A_216 : vector<1x16xf32> to vector<16xf32>
      %get3A_218 = arith.constant 4 : i32
      %get3A_219 = arith.index_cast %get3A_218 : i32 to index
      %get3A_220 = arith.constant 0 : index
      %get3A_221 = tpu.vector_load %arg12[%get3A_219, %get3A_220] {strides = array<i32>} : memref<64x16xf32, #tpu.memory_space<vmem>>, vector<1x16xf32>,
      %get3A_222 = vector.shape_cast %get3A_221 : vector<1x16xf32> to vector<16xf32>
      %mul3A_223 = arith.mulf %div3A_15, %get3A_222 : vector<16xf32>
      %add3A_224 = arith.addf %get3A_217, %mul3A_223 : vector<16xf32>
      %get3A_225 = arith.constant 20 : i32
      %get3A_226 = arith.index_cast %get3A_225 : i32 to index
      %get3A_227 = arith.constant 0 : index
      %get3A_228 = tpu.vector_load %arg12[%get3A_226, %get3A_227] {strides = array<i32>} : memref<64x16xf32, #tpu.memory_space<vmem>>, vector<1x16xf32>,
      %get3A_229 = vector.shape_cast %get3A_228 : vector<1x16xf32> to vector<16xf32>
      %mul3A_230 = arith.mulf %div3A_33, %get3A_229 : vector<16xf32>
      %add3A_231 = arith.addf %add3A_224, %mul3A_230 : vector<16xf32>
      %get3A_232 = arith.constant 36 : i32
      %get3A_233 = arith.index_cast %get3A_232 : i32 to index
      %get3A_234 = arith.constant 0 : index
      %get3A_235 = tpu.vector_load %arg12[%get3A_233, %get3A_234] {strides = array<i32>} : memref<64x16xf32, #tpu.memory_space<vmem>>, vector<1x16xf32>,
      %get3A_236 = vector.shape_cast %get3A_235 : vector<1x16xf32> to vector<16xf32>
      %mul3A_237 = arith.mulf %div3A_51, %get3A_236 : vector<16xf32>
      %add3A_238 = arith.addf %add3A_231, %mul3A_237 : vector<16xf32>
      %get3A_239 = arith.constant 52 : i32
      %get3A_240 = arith.index_cast %get3A_239 : i32 to index
      %get3A_241 = arith.constant 0 : index
      %get3A_242 = tpu.vector_load %arg12[%get3A_240, %get3A_241] {strides = array<i32>} : memref<64x16xf32, #tpu.memory_space<vmem>>, vector<1x16xf32>,
      %get3A_243 = vector.shape_cast %get3A_242 : vector<1x16xf32> to vector<16xf32>
      %mul3A_244 = arith.mulf %div3A_69, %get3A_243 : vector<16xf32>
      %add3A_245 = arith.addf %add3A_238, %mul3A_244 : vector<16xf32>
      %max3A_246 = arith.constant 0.000000e+00 : f32
      %max3A_247 = vector.broadcast %max3A_246 : f32 to vector<16xf32>
      %max3A_248 = arith.maximumf %add3A_245, %max3A_247 : vector<16xf32>
      %get3A_249 = arith.constant 5 : i32
      %get3A_250 = arith.index_cast %get3A_249 : i32 to index
      %get3A_251 = arith.constant 0 : index
      %get3A_252 = tpu.vector_load %arg13[%get3A_250, %get3A_251] {strides = array<i32>} : memref<16x16xf32, #tpu.memory_space<vmem>>, vector<1x16xf32>,
      %get3A_253 = vector.shape_cast %get3A_252 : vector<1x16xf32> to vector<16xf32>
      %get3A_254 = arith.constant 5 : i32
      %get3A_255 = arith.index_cast %get3A_254 : i32 to index
      %get3A_256 = arith.constant 0 : index
      %get3A_257 = tpu.vector_load %arg12[%get3A_255, %get3A_256] {strides = array<i32>} : memref<64x16xf32, #tpu.memory_space<vmem>>, vector<1x16xf32>,
      %get3A_258 = vector.shape_cast %get3A_257 : vector<1x16xf32> to vector<16xf32>
      %mul3A_259 = arith.mulf %div3A_15, %get3A_258 : vector<16xf32>
      %add3A_260 = arith.addf %get3A_253, %mul3A_259 : vector<16xf32>
      %get3A_261 = arith.constant 21 : i32
      %get3A_262 = arith.index_cast %get3A_261 : i32 to index
      %get3A_263 = arith.constant 0 : index
      %get3A_264 = tpu.vector_load %arg12[%get3A_262, %get3A_263] {strides = array<i32>} : memref<64x16xf32, #tpu.memory_space<vmem>>, vector<1x16xf32>,
      %get3A_265 = vector.shape_cast %get3A_264 : vector<1x16xf32> to vector<16xf32>
      %mul3A_266 = arith.mulf %div3A_33, %get3A_265 : vector<16xf32>
      %add3A_267 = arith.addf %add3A_260, %mul3A_266 : vector<16xf32>
      %get3A_268 = arith.constant 37 : i32
      %get3A_269 = arith.index_cast %get3A_268 : i32 to index
      %get3A_270 = arith.constant 0 : index
      %get3A_271 = tpu.vector_load %arg12[%get3A_269, %get3A_270] {strides = array<i32>} : memref<64x16xf32, #tpu.memory_space<vmem>>, vector<1x16xf32>,
      %get3A_272 = vector.shape_cast %get3A_271 : vector<1x16xf32> to vector<16xf32>
      %mul3A_273 = arith.mulf %div3A_51, %get3A_272 : vector<16xf32>
      %add3A_274 = arith.addf %add3A_267, %mul3A_273 : vector<16xf32>
      %get3A_275 = arith.constant 53 : i32
      %get3A_276 = arith.index_cast %get3A_275 : i32 to index
      %get3A_277 = arith.constant 0 : index
      %get3A_278 = tpu.vector_load %arg12[%get3A_276, %get3A_277] {strides = array<i32>} : memref<64x16xf32, #tpu.memory_space<vmem>>, vector<1x16xf32>,
      %get3A_279 = vector.shape_cast %get3A_278 : vector<1x16xf32> to vector<16xf32>
      %mul3A_280 = arith.mulf %div3A_69, %get3A_279 : vector<16xf32>
      %add3A_281 = arith.addf %add3A_274, %mul3A_280 : vector<16xf32>
      %max3A_282 = arith.constant 0.000000e+00 : f32
      %max3A_283 = vector.broadcast %max3A_282 : f32 to vector<16xf32>
      %max3A_284 = arith.maximumf %add3A_281, %max3A_283 : vector<16xf32>
      %get3A_285 = arith.constant 6 : i32
      %get3A_286 = arith.index_cast %get3A_285 : i32 to index
      %get3A_287 = arith.constant 0 : index
      %get3A_288 = tpu.vector_load %arg13[%get3A_286, %get3A_287] {strides = array<i32>} : memref<16x16xf32, #tpu.memory_space<vmem>>, vector<1x16xf32>,
      %get3A_289 = vector.shape_cast %get3A_288 : vector<1x16xf32> to vector<16xf32>
      %get3A_290 = arith.constant 6 : i32
      %get3A_291 = arith.index_cast %get3A_290 : i32 to index
      %get3A_292 = arith.constant 0 : index
      %get3A_293 = tpu.vector_load %arg12[%get3A_291, %get3A_292] {strides = array<i32>} : memref<64x16xf32, #tpu.memory_space<vmem>>, vector<1x16xf32>,
      %get3A_294 = vector.shape_cast %get3A_293 : vector<1x16xf32> to vector<16xf32>
      %mul3A_295 = arith.mulf %div3A_15, %get3A_294 : vector<16xf32>
      %add3A_296 = arith.addf %get3A_289, %mul3A_295 : vector<16xf32>
      %get3A_297 = arith.constant 22 : i32
      %get3A_298 = arith.index_cast %get3A_297 : i32 to index
      %get3A_299 = arith.constant 0 : index
      %get3A_300 = tpu.vector_load %arg12[%get3A_298, %get3A_299] {strides = array<i32>} : memref<64x16xf32, #tpu.memory_space<vmem>>, vector<1x16xf32>,
      %get3A_301 = vector.shape_cast %get3A_300 : vector<1x16xf32> to vector<16xf32>
      %mul3A_302 = arith.mulf %div3A_33, %get3A_301 : vector<16xf32>
      %add3A_303 = arith.addf %add3A_296, %mul3A_302 : vector<16xf32>
      %get3A_304 = arith.constant 38 : i32
      %get3A_305 = arith.index_cast %get3A_304 : i32 to index
      %get3A_306 = arith.constant 0 : index
      %get3A_307 = tpu.vector_load %arg12[%get3A_305, %get3A_306] {strides = array<i32>} : memref<64x16xf32, #tpu.memory_space<vmem>>, vector<1x16xf32>,
      %get3A_308 = vector.shape_cast %get3A_307 : vector<1x16xf32> to vector<16xf32>
      %mul3A_309 = arith.mulf %div3A_51, %get3A_308 : vector<16xf32>
      %add3A_310 = arith.addf %add3A_303, %mul3A_309 : vector<16xf32>
      %get3A_311 = arith.constant 54 : i32
      %get3A_312 = arith.index_cast %get3A_311 : i32 to index
      %get3A_313 = arith.constant 0 : index
      %get3A_314 = tpu.vector_load %arg12[%get3A_312, %get3A_313] {strides = array<i32>} : memref<64x16xf32, #tpu.memory_space<vmem>>, vector<1x16xf32>,
      %get3A_315 = vector.shape_cast %get3A_314 : vector<1x16xf32> to vector<16xf32>
      %mul3A_316 = arith.mulf %div3A_69, %get3A_315 : vector<16xf32>
      %add3A_317 = arith.addf %add3A_310, %mul3A_316 : vector<16xf32>
      %max3A_318 = arith.constant 0.000000e+00 : f32
      %max3A_319 = vector.broadcast %max3A_318 : f32 to vector<16xf32>
      %max3A_320 = arith.maximumf %add3A_317, %max3A_319 : vector<16xf32>
      %get3A_321 = arith.constant 7 : i32
      %get3A_322 = arith.index_cast %get3A_321 : i32 to index
      %get3A_323 = arith.constant 0 : index
      %get3A_324 = tpu.vector_load %arg13[%get3A_322, %get3A_323] {strides = array<i32>} : memref<16x16xf32, #tpu.memory_space<vmem>>, vector<1x16xf32>,
      %get3A_325 = vector.shape_cast %get3A_324 : vector<1x16xf32> to vector<16xf32>
      %get3A_326 = arith.constant 7 : i32
      %get3A_327 = arith.index_cast %get3A_326 : i32 to index
      %get3A_328 = arith.constant 0 : index
      %get3A_329 = tpu.vector_load %arg12[%get3A_327, %get3A_328] {strides = array<i32>} : memref<64x16xf32, #tpu.memory_space<vmem>>, vector<1x16xf32>,
      %get3A_330 = vector.shape_cast %get3A_329 : vector<1x16xf32> to vector<16xf32>
      %mul3A_331 = arith.mulf %div3A_15, %get3A_330 : vector<16xf32>
      %add3A_332 = arith.addf %get3A_325, %mul3A_331 : vector<16xf32>
      %get3A_333 = arith.constant 23 : i32
      %get3A_334 = arith.index_cast %get3A_333 : i32 to index
      %get3A_335 = arith.constant 0 : index
      %get3A_336 = tpu.vector_load %arg12[%get3A_334, %get3A_335] {strides = array<i32>} : memref<64x16xf32, #tpu.memory_space<vmem>>, vector<1x16xf32>,
      %get3A_337 = vector.shape_cast %get3A_336 : vector<1x16xf32> to vector<16xf32>
      %mul3A_338 = arith.mulf %div3A_33, %get3A_337 : vector<16xf32>
      %add3A_339 = arith.addf %add3A_332, %mul3A_338 : vector<16xf32>
      %get3A_340 = arith.constant 39 : i32
      %get3A_341 = arith.index_cast %get3A_340 : i32 to index
      %get3A_342 = arith.constant 0 : index
      %get3A_343 = tpu.vector_load %arg12[%get3A_341, %get3A_342] {strides = array<i32>} : memref<64x16xf32, #tpu.memory_space<vmem>>, vector<1x16xf32>,
      %get3A_344 = vector.shape_cast %get3A_343 : vector<1x16xf32> to vector<16xf32>
      %mul3A_345 = arith.mulf %div3A_51, %get3A_344 : vector<16xf32>
      %add3A_346 = arith.addf %add3A_339, %mul3A_345 : vector<16xf32>
      %get3A_347 = arith.constant 55 : i32
      %get3A_348 = arith.index_cast %get3A_347 : i32 to index
      %get3A_349 = arith.constant 0 : index
      %get3A_350 = tpu.vector_load %arg12[%get3A_348, %get3A_349] {strides = array<i32>} : memref<64x16xf32, #tpu.memory_space<vmem>>, vector<1x16xf32>,
      %get3A_351 = vector.shape_cast %get3A_350 : vector<1x16xf32> to vector<16xf32>
      %mul3A_352 = arith.mulf %div3A_69, %get3A_351 : vector<16xf32>
      %add3A_353 = arith.addf %add3A_346, %mul3A_352 : vector<16xf32>
      %max3A_354 = arith.constant 0.000000e+00 : f32
      %max3A_355 = vector.broadcast %max3A_354 : f32 to vector<16xf32>
      %max3A_356 = arith.maximumf %add3A_353, %max3A_355 : vector<16xf32>
      %get3A_357 = arith.constant 8 : i32
      %get3A_358 = arith.index_cast %get3A_357 : i32 to index
      %get3A_359 = arith.constant 0 : index
      %get3A_360 = tpu.vector_load %arg13[%get3A_358, %get3A_359] {strides = array<i32>} : memref<16x16xf32, #tpu.memory_space<vmem>>, vector<1x16xf32>,
      %get3A_361 = vector.shape_cast %get3A_360 : vector<1x16xf32> to vector<16xf32>
      %get3A_362 = arith.constant 8 : i32
      %get3A_363 = arith.index_cast %get3A_362 : i32 to index
      %get3A_364 = arith.constant 0 : index
      %get3A_365 = tpu.vector_load %arg12[%get3A_363, %get3A_364] {strides = array<i32>} : memref<64x16xf32, #tpu.memory_space<vmem>>, vector<1x16xf32>,
      %get3A_366 = vector.shape_cast %get3A_365 : vector<1x16xf32> to vector<16xf32>
      %mul3A_367 = arith.mulf %div3A_15, %get3A_366 : vector<16xf32>
      %add3A_368 = arith.addf %get3A_361, %mul3A_367 : vector<16xf32>
      %get3A_369 = arith.constant 24 : i32
      %get3A_370 = arith.index_cast %get3A_369 : i32 to index
      %get3A_371 = arith.constant 0 : index
      %get3A_372 = tpu.vector_load %arg12[%get3A_370, %get3A_371] {strides = array<i32>} : memref<64x16xf32, #tpu.memory_space<vmem>>, vector<1x16xf32>,
      %get3A_373 = vector.shape_cast %get3A_372 : vector<1x16xf32> to vector<16xf32>
      %mul3A_374 = arith.mulf %div3A_33, %get3A_373 : vector<16xf32>
      %add3A_375 = arith.addf %add3A_368, %mul3A_374 : vector<16xf32>
      %get3A_376 = arith.constant 40 : i32
      %get3A_377 = arith.index_cast %get3A_376 : i32 to index
      %get3A_378 = arith.constant 0 : index
      %get3A_379 = tpu.vector_load %arg12[%get3A_377, %get3A_378] {strides = array<i32>} : memref<64x16xf32, #tpu.memory_space<vmem>>, vector<1x16xf32>,
      %get3A_380 = vector.shape_cast %get3A_379 : vector<1x16xf32> to vector<16xf32>
      %mul3A_381 = arith.mulf %div3A_51, %get3A_380 : vector<16xf32>
      %add3A_382 = arith.addf %add3A_375, %mul3A_381 : vector<16xf32>
      %get3A_383 = arith.constant 56 : i32
      %get3A_384 = arith.index_cast %get3A_383 : i32 to index
      %get3A_385 = arith.constant 0 : index
      %get3A_386 = tpu.vector_load %arg12[%get3A_384, %get3A_385] {strides = array<i32>} : memref<64x16xf32, #tpu.memory_space<vmem>>, vector<1x16xf32>,
      %get3A_387 = vector.shape_cast %get3A_386 : vector<1x16xf32> to vector<16xf32>
      %mul3A_388 = arith.mulf %div3A_69, %get3A_387 : vector<16xf32>
      %add3A_389 = arith.addf %add3A_382, %mul3A_388 : vector<16xf32>
      %max3A_390 = arith.constant 0.000000e+00 : f32
      %max3A_391 = vector.broadcast %max3A_390 : f32 to vector<16xf32>
      %max3A_392 = arith.maximumf %add3A_389, %max3A_391 : vector<16xf32>
      %get3A_393 = arith.constant 9 : i32
      %get3A_394 = arith.index_cast %get3A_393 : i32 to index
      %get3A_395 = arith.constant 0 : index
      %get3A_396 = tpu.vector_load %arg13[%get3A_394, %get3A_395] {strides = array<i32>} : memref<16x16xf32, #tpu.memory_space<vmem>>, vector<1x16xf32>,
      %get3A_397 = vector.shape_cast %get3A_396 : vector<1x16xf32> to vector<16xf32>
      %get3A_398 = arith.constant 9 : i32
      %get3A_399 = arith.index_cast %get3A_398 : i32 to index
      %get3A_400 = arith.constant 0 : index
      %get3A_401 = tpu.vector_load %arg12[%get3A_399, %get3A_400] {strides = array<i32>} : memref<64x16xf32, #tpu.memory_space<vmem>>, vector<1x16xf32>,
      %get3A_402 = vector.shape_cast %get3A_401 : vector<1x16xf32> to vector<16xf32>
      %mul3A_403 = arith.mulf %div3A_15, %get3A_402 : vector<16xf32>
      %add3A_404 = arith.addf %get3A_397, %mul3A_403 : vector<16xf32>
      %get3A_405 = arith.constant 25 : i32
      %get3A_406 = arith.index_cast %get3A_405 : i32 to index
      %get3A_407 = arith.constant 0 : index
      %get3A_408 = tpu.vector_load %arg12[%get3A_406, %get3A_407] {strides = array<i32>} : memref<64x16xf32, #tpu.memory_space<vmem>>, vector<1x16xf32>,
      %get3A_409 = vector.shape_cast %get3A_408 : vector<1x16xf32> to vector<16xf32>
      %mul3A_410 = arith.mulf %div3A_33, %get3A_409 : vector<16xf32>
      %add3A_411 = arith.addf %add3A_404, %mul3A_410 : vector<16xf32>
      %get3A_412 = arith.constant 41 : i32
      %get3A_413 = arith.index_cast %get3A_412 : i32 to index
      %get3A_414 = arith.constant 0 : index
      %get3A_415 = tpu.vector_load %arg12[%get3A_413, %get3A_414] {strides = array<i32>} : memref<64x16xf32, #tpu.memory_space<vmem>>, vector<1x16xf32>,
      %get3A_416 = vector.shape_cast %get3A_415 : vector<1x16xf32> to vector<16xf32>
      %mul3A_417 = arith.mulf %div3A_51, %get3A_416 : vector<16xf32>
      %add3A_418 = arith.addf %add3A_411, %mul3A_417 : vector<16xf32>
      %get3A_419 = arith.constant 57 : i32
      %get3A_420 = arith.index_cast %get3A_419 : i32 to index
      %get3A_421 = arith.constant 0 : index
      %get3A_422 = tpu.vector_load %arg12[%get3A_420, %get3A_421] {strides = array<i32>} : memref<64x16xf32, #tpu.memory_space<vmem>>, vector<1x16xf32>,
      %get3A_423 = vector.shape_cast %get3A_422 : vector<1x16xf32> to vector<16xf32>
      %mul3A_424 = arith.mulf %div3A_69, %get3A_423 : vector<16xf32>
      %add3A_425 = arith.addf %add3A_418, %mul3A_424 : vector<16xf32>
      %max3A_426 = arith.constant 0.000000e+00 : f32
      %max3A_427 = vector.broadcast %max3A_426 : f32 to vector<16xf32>
      %max3A_428 = arith.maximumf %add3A_425, %max3A_427 : vector<16xf32>
      %get3A_429 = arith.constant 10 : i32
      %get3A_430 = arith.index_cast %get3A_429 : i32 to index
      %get3A_431 = arith.constant 0 : index
      %get3A_432 = tpu.vector_load %arg13[%get3A_430, %get3A_431] {strides = array<i32>} : memref<16x16xf32, #tpu.memory_space<vmem>>, vector<1x16xf32>,
      %get3A_433 = vector.shape_cast %get3A_432 : vector<1x16xf32> to vector<16xf32>
      %get3A_434 = arith.constant 10 : i32
      %get3A_435 = arith.index_cast %get3A_434 : i32 to index
      %get3A_436 = arith.constant 0 : index
      %get3A_437 = tpu.vector_load %arg12[%get3A_435, %get3A_436] {strides = array<i32>} : memref<64x16xf32, #tpu.memory_space<vmem>>, vector<1x16xf32>,
      %get3A_438 = vector.shape_cast %get3A_437 : vector<1x16xf32> to vector<16xf32>
      %mul3A_439 = arith.mulf %div3A_15, %get3A_438 : vector<16xf32>
      %add3A_440 = arith.addf %get3A_433, %mul3A_439 : vector<16xf32>
      %get3A_441 = arith.constant 26 : i32
      %get3A_442 = arith.index_cast %get3A_441 : i32 to index
      %get3A_443 = arith.constant 0 : index
      %get3A_444 = tpu.vector_load %arg12[%get3A_442, %get3A_443] {strides = array<i32>} : memref<64x16xf32, #tpu.memory_space<vmem>>, vector<1x16xf32>,
      %get3A_445 = vector.shape_cast %get3A_444 : vector<1x16xf32> to vector<16xf32>
      %mul3A_446 = arith.mulf %div3A_33, %get3A_445 : vector<16xf32>
      %add3A_447 = arith.addf %add3A_440, %mul3A_446 : vector<16xf32>
      %get3A_448 = arith.constant 42 : i32
      %get3A_449 = arith.index_cast %get3A_448 : i32 to index
      %get3A_450 = arith.constant 0 : index
      %get3A_451 = tpu.vector_load %arg12[%get3A_449, %get3A_450] {strides = array<i32>} : memref<64x16xf32, #tpu.memory_space<vmem>>, vector<1x16xf32>,
      %get3A_452 = vector.shape_cast %get3A_451 : vector<1x16xf32> to vector<16xf32>
      %mul3A_453 = arith.mulf %div3A_51, %get3A_452 : vector<16xf32>
      %add3A_454 = arith.addf %add3A_447, %mul3A_453 : vector<16xf32>
      %get3A_455 = arith.constant 58 : i32
      %get3A_456 = arith.index_cast %get3A_455 : i32 to index
      %get3A_457 = arith.constant 0 : index
      %get3A_458 = tpu.vector_load %arg12[%get3A_456, %get3A_457] {strides = array<i32>} : memref<64x16xf32, #tpu.memory_space<vmem>>, vector<1x16xf32>,
      %get3A_459 = vector.shape_cast %get3A_458 : vector<1x16xf32> to vector<16xf32>
      %mul3A_460 = arith.mulf %div3A_69, %get3A_459 : vector<16xf32>
      %add3A_461 = arith.addf %add3A_454, %mul3A_460 : vector<16xf32>
      %max3A_462 = arith.constant 0.000000e+00 : f32
      %max3A_463 = vector.broadcast %max3A_462 : f32 to vector<16xf32>
      %max3A_464 = arith.maximumf %add3A_461, %max3A_463 : vector<16xf32>
      %get3A_465 = arith.constant 11 : i32
      %get3A_466 = arith.index_cast %get3A_465 : i32 to index
      %get3A_467 = arith.constant 0 : index
      %get3A_468 = tpu.vector_load %arg13[%get3A_466, %get3A_467] {strides = array<i32>} : memref<16x16xf32, #tpu.memory_space<vmem>>, vector<1x16xf32>,
      %get3A_469 = vector.shape_cast %get3A_468 : vector<1x16xf32> to vector<16xf32>
      %get3A_470 = arith.constant 11 : i32
      %get3A_471 = arith.index_cast %get3A_470 : i32 to index
      %get3A_472 = arith.constant 0 : index
      %get3A_473 = tpu.vector_load %arg12[%get3A_471, %get3A_472] {strides = array<i32>} : memref<64x16xf32, #tpu.memory_space<vmem>>, vector<1x16xf32>,
      %get3A_474 = vector.shape_cast %get3A_473 : vector<1x16xf32> to vector<16xf32>
      %mul3A_475 = arith.mulf %div3A_15, %get3A_474 : vector<16xf32>
      %add3A_476 = arith.addf %get3A_469, %mul3A_475 : vector<16xf32>
      %get3A_477 = arith.constant 27 : i32
      %get3A_478 = arith.index_cast %get3A_477 : i32 to index
      %get3A_479 = arith.constant 0 : index
      %get3A_480 = tpu.vector_load %arg12[%get3A_478, %get3A_479] {strides = array<i32>} : memref<64x16xf32, #tpu.memory_space<vmem>>, vector<1x16xf32>,
      %get3A_481 = vector.shape_cast %get3A_480 : vector<1x16xf32> to vector<16xf32>
      %mul3A_482 = arith.mulf %div3A_33, %get3A_481 : vector<16xf32>
      %add3A_483 = arith.addf %add3A_476, %mul3A_482 : vector<16xf32>
      %get3A_484 = arith.constant 43 : i32
      %get3A_485 = arith.index_cast %get3A_484 : i32 to index
      %get3A_486 = arith.constant 0 : index
      %get3A_487 = tpu.vector_load %arg12[%get3A_485, %get3A_486] {strides = array<i32>} : memref<64x16xf32, #tpu.memory_space<vmem>>, vector<1x16xf32>,
      %get3A_488 = vector.shape_cast %get3A_487 : vector<1x16xf32> to vector<16xf32>
      %mul3A_489 = arith.mulf %div3A_51, %get3A_488 : vector<16xf32>
      %add3A_490 = arith.addf %add3A_483, %mul3A_489 : vector<16xf32>
      %get3A_491 = arith.constant 59 : i32
      %get3A_492 = arith.index_cast %get3A_491 : i32 to index
      %get3A_493 = arith.constant 0 : index
      %get3A_494 = tpu.vector_load %arg12[%get3A_492, %get3A_493] {strides = array<i32>} : memref<64x16xf32, #tpu.memory_space<vmem>>, vector<1x16xf32>,
      %get3A_495 = vector.shape_cast %get3A_494 : vector<1x16xf32> to vector<16xf32>
      %mul3A_496 = arith.mulf %div3A_69, %get3A_495 : vector<16xf32>
      %add3A_497 = arith.addf %add3A_490, %mul3A_496 : vector<16xf32>
      %max3A_498 = arith.constant 0.000000e+00 : f32
      %max3A_499 = vector.broadcast %max3A_498 : f32 to vector<16xf32>
      %max3A_500 = arith.maximumf %add3A_497, %max3A_499 : vector<16xf32>
      %get3A_501 = arith.constant 12 : i32
      %get3A_502 = arith.index_cast %get3A_501 : i32 to index
      %get3A_503 = arith.constant 0 : index
      %get3A_504 = tpu.vector_load %arg13[%get3A_502, %get3A_503] {strides = array<i32>} : memref<16x16xf32, #tpu.memory_space<vmem>>, vector<1x16xf32>,
      %get3A_505 = vector.shape_cast %get3A_504 : vector<1x16xf32> to vector<16xf32>
      %get3A_506 = arith.constant 12 : i32
      %get3A_507 = arith.index_cast %get3A_506 : i32 to index
      %get3A_508 = arith.constant 0 : index
      %get3A_509 = tpu.vector_load %arg12[%get3A_507, %get3A_508] {strides = array<i32>} : memref<64x16xf32, #tpu.memory_space<vmem>>, vector<1x16xf32>,
      %get3A_510 = vector.shape_cast %get3A_509 : vector<1x16xf32> to vector<16xf32>
      %mul3A_511 = arith.mulf %div3A_15, %get3A_510 : vector<16xf32>
      %add3A_512 = arith.addf %get3A_505, %mul3A_511 : vector<16xf32>
      %get3A_513 = arith.constant 28 : i32
      %get3A_514 = arith.index_cast %get3A_513 : i32 to index
      %get3A_515 = arith.constant 0 : index
      %get3A_516 = tpu.vector_load %arg12[%get3A_514, %get3A_515] {strides = array<i32>} : memref<64x16xf32, #tpu.memory_space<vmem>>, vector<1x16xf32>,
      %get3A_517 = vector.shape_cast %get3A_516 : vector<1x16xf32> to vector<16xf32>
      %mul3A_518 = arith.mulf %div3A_33, %get3A_517 : vector<16xf32>
      %add3A_519 = arith.addf %add3A_512, %mul3A_518 : vector<16xf32>
      %get3A_520 = arith.constant 44 : i32
      %get3A_521 = arith.index_cast %get3A_520 : i32 to index
      %get3A_522 = arith.constant 0 : index
      %get3A_523 = tpu.vector_load %arg12[%get3A_521, %get3A_522] {strides = array<i32>} : memref<64x16xf32, #tpu.memory_space<vmem>>, vector<1x16xf32>,
      %get3A_524 = vector.shape_cast %get3A_523 : vector<1x16xf32> to vector<16xf32>
      %mul3A_525 = arith.mulf %div3A_51, %get3A_524 : vector<16xf32>
      %add3A_526 = arith.addf %add3A_519, %mul3A_525 : vector<16xf32>
      %get3A_527 = arith.constant 60 : i32
      %get3A_528 = arith.index_cast %get3A_527 : i32 to index
      %get3A_529 = arith.constant 0 : index
      %get3A_530 = tpu.vector_load %arg12[%get3A_528, %get3A_529] {strides = array<i32>} : memref<64x16xf32, #tpu.memory_space<vmem>>, vector<1x16xf32>,
      %get3A_531 = vector.shape_cast %get3A_530 : vector<1x16xf32> to vector<16xf32>
      %mul3A_532 = arith.mulf %div3A_69, %get3A_531 : vector<16xf32>
      %add3A_533 = arith.addf %add3A_526, %mul3A_532 : vector<16xf32>
      %max3A_534 = arith.constant 0.000000e+00 : f32
      %max3A_535 = vector.broadcast %max3A_534 : f32 to vector<16xf32>
      %max3A_536 = arith.maximumf %add3A_533, %max3A_535 : vector<16xf32>
      %get3A_537 = arith.constant 13 : i32
      %get3A_538 = arith.index_cast %get3A_537 : i32 to index
      %get3A_539 = arith.constant 0 : index
      %get3A_540 = tpu.vector_load %arg13[%get3A_538, %get3A_539] {strides = array<i32>} : memref<16x16xf32, #tpu.memory_space<vmem>>, vector<1x16xf32>,
      %get3A_541 = vector.shape_cast %get3A_540 : vector<1x16xf32> to vector<16xf32>
      %get3A_542 = arith.constant 13 : i32
      %get3A_543 = arith.index_cast %get3A_542 : i32 to index
      %get3A_544 = arith.constant 0 : index
      %get3A_545 = tpu.vector_load %arg12[%get3A_543, %get3A_544] {strides = array<i32>} : memref<64x16xf32, #tpu.memory_space<vmem>>, vector<1x16xf32>,
      %get3A_546 = vector.shape_cast %get3A_545 : vector<1x16xf32> to vector<16xf32>
      %mul3A_547 = arith.mulf %div3A_15, %get3A_546 : vector<16xf32>
      %add3A_548 = arith.addf %get3A_541, %mul3A_547 : vector<16xf32>
      %get3A_549 = arith.constant 29 : i32
      %get3A_550 = arith.index_cast %get3A_549 : i32 to index
      %get3A_551 = arith.constant 0 : index
      %get3A_552 = tpu.vector_load %arg12[%get3A_550, %get3A_551] {strides = array<i32>} : memref<64x16xf32, #tpu.memory_space<vmem>>, vector<1x16xf32>,
      %get3A_553 = vector.shape_cast %get3A_552 : vector<1x16xf32> to vector<16xf32>
      %mul3A_554 = arith.mulf %div3A_33, %get3A_553 : vector<16xf32>
      %add3A_555 = arith.addf %add3A_548, %mul3A_554 : vector<16xf32>
      %get3A_556 = arith.constant 45 : i32
      %get3A_557 = arith.index_cast %get3A_556 : i32 to index
      %get3A_558 = arith.constant 0 : index
      %get3A_559 = tpu.vector_load %arg12[%get3A_557, %get3A_558] {strides = array<i32>} : memref<64x16xf32, #tpu.memory_space<vmem>>, vector<1x16xf32>,
      %get3A_560 = vector.shape_cast %get3A_559 : vector<1x16xf32> to vector<16xf32>
      %mul3A_561 = arith.mulf %div3A_51, %get3A_560 : vector<16xf32>
      %add3A_562 = arith.addf %add3A_555, %mul3A_561 : vector<16xf32>
      %get3A_563 = arith.constant 61 : i32
      %get3A_564 = arith.index_cast %get3A_563 : i32 to index
      %get3A_565 = arith.constant 0 : index
      %get3A_566 = tpu.vector_load %arg12[%get3A_564, %get3A_565] {strides = array<i32>} : memref<64x16xf32, #tpu.memory_space<vmem>>, vector<1x16xf32>,
      %get3A_567 = vector.shape_cast %get3A_566 : vector<1x16xf32> to vector<16xf32>
      %mul3A_568 = arith.mulf %div3A_69, %get3A_567 : vector<16xf32>
      %add3A_569 = arith.addf %add3A_562, %mul3A_568 : vector<16xf32>
      %max3A_570 = arith.constant 0.000000e+00 : f32
      %max3A_571 = vector.broadcast %max3A_570 : f32 to vector<16xf32>
      %max3A_572 = arith.maximumf %add3A_569, %max3A_571 : vector<16xf32>
      %get3A_573 = arith.constant 14 : i32
      %get3A_574 = arith.index_cast %get3A_573 : i32 to index
      %get3A_575 = arith.constant 0 : index
      %get3A_576 = tpu.vector_load %arg13[%get3A_574, %get3A_575] {strides = array<i32>} : memref<16x16xf32, #tpu.memory_space<vmem>>, vector<1x16xf32>,
      %get3A_577 = vector.shape_cast %get3A_576 : vector<1x16xf32> to vector<16xf32>
      %get3A_578 = arith.constant 14 : i32
      %get3A_579 = arith.index_cast %get3A_578 : i32 to index
      %get3A_580 = arith.constant 0 : index
      %get3A_581 = tpu.vector_load %arg12[%get3A_579, %get3A_580] {strides = array<i32>} : memref<64x16xf32, #tpu.memory_space<vmem>>, vector<1x16xf32>,
      %get3A_582 = vector.shape_cast %get3A_581 : vector<1x16xf32> to vector<16xf32>
      %mul3A_583 = arith.mulf %div3A_15, %get3A_582 : vector<16xf32>
      %add3A_584 = arith.addf %get3A_577, %mul3A_583 : vector<16xf32>
      %get3A_585 = arith.constant 30 : i32
      %get3A_586 = arith.index_cast %get3A_585 : i32 to index
      %get3A_587 = arith.constant 0 : index
      %get3A_588 = tpu.vector_load %arg12[%get3A_586, %get3A_587] {strides = array<i32>} : memref<64x16xf32, #tpu.memory_space<vmem>>, vector<1x16xf32>,
      %get3A_589 = vector.shape_cast %get3A_588 : vector<1x16xf32> to vector<16xf32>
      %mul3A_590 = arith.mulf %div3A_33, %get3A_589 : vector<16xf32>
      %add3A_591 = arith.addf %add3A_584, %mul3A_590 : vector<16xf32>
      %get3A_592 = arith.constant 46 : i32
      %get3A_593 = arith.index_cast %get3A_592 : i32 to index
      %get3A_594 = arith.constant 0 : index
      %get3A_595 = tpu.vector_load %arg12[%get3A_593, %get3A_594] {strides = array<i32>} : memref<64x16xf32, #tpu.memory_space<vmem>>, vector<1x16xf32>,
      %get3A_596 = vector.shape_cast %get3A_595 : vector<1x16xf32> to vector<16xf32>
      %mul3A_597 = arith.mulf %div3A_51, %get3A_596 : vector<16xf32>
      %add3A_598 = arith.addf %add3A_591, %mul3A_597 : vector<16xf32>
      %get3A_599 = arith.constant 62 : i32
      %get3A_600 = arith.index_cast %get3A_599 : i32 to index
      %get3A_601 = arith.constant 0 : index
      %get3A_602 = tpu.vector_load %arg12[%get3A_600, %get3A_601] {strides = array<i32>} : memref<64x16xf32, #tpu.memory_space<vmem>>, vector<1x16xf32>,
      %get3A_603 = vector.shape_cast %get3A_602 : vector<1x16xf32> to vector<16xf32>
      %mul3A_604 = arith.mulf %div3A_69, %get3A_603 : vector<16xf32>
      %add3A_605 = arith.addf %add3A_598, %mul3A_604 : vector<16xf32>
      %max3A_606 = arith.constant 0.000000e+00 : f32
      %max3A_607 = vector.broadcast %max3A_606 : f32 to vector<16xf32>
      %max3A_608 = arith.maximumf %add3A_605, %max3A_607 : vector<16xf32>
      %get3A_609 = arith.constant 15 : i32
      %get3A_610 = arith.index_cast %get3A_609 : i32 to index
      %get3A_611 = arith.constant 0 : index
      %get3A_612 = tpu.vector_load %arg13[%get3A_610, %get3A_611] {strides = array<i32>} : memref<16x16xf32, #tpu.memory_space<vmem>>, vector<1x16xf32>,
      %get3A_613 = vector.shape_cast %get3A_612 : vector<1x16xf32> to vector<16xf32>
      %get3A_614 = arith.constant 15 : i32
      %get3A_615 = arith.index_cast %get3A_614 : i32 to index
      %get3A_616 = arith.constant 0 : index
      %get3A_617 = tpu.vector_load %arg12[%get3A_615, %get3A_616] {strides = array<i32>} : memref<64x16xf32, #tpu.memory_space<vmem>>, vector<1x16xf32>,
      %get3A_618 = vector.shape_cast %get3A_617 : vector<1x16xf32> to vector<16xf32>
      %mul3A_619 = arith.mulf %div3A_15, %get3A_618 : vector<16xf32>
      %add3A_620 = arith.addf %get3A_613, %mul3A_619 : vector<16xf32>
      %get3A_621 = arith.constant 31 : i32
      %get3A_622 = arith.index_cast %get3A_621 : i32 to index
      %get3A_623 = arith.constant 0 : index
      %get3A_624 = tpu.vector_load %arg12[%get3A_622, %get3A_623] {strides = array<i32>} : memref<64x16xf32, #tpu.memory_space<vmem>>, vector<1x16xf32>,
      %get3A_625 = vector.shape_cast %get3A_624 : vector<1x16xf32> to vector<16xf32>
      %mul3A_626 = arith.mulf %div3A_33, %get3A_625 : vector<16xf32>
      %add3A_627 = arith.addf %add3A_620, %mul3A_626 : vector<16xf32>
      %get3A_628 = arith.constant 47 : i32
      %get3A_629 = arith.index_cast %get3A_628 : i32 to index
      %get3A_630 = arith.constant 0 : index
      %get3A_631 = tpu.vector_load %arg12[%get3A_629, %get3A_630] {strides = array<i32>} : memref<64x16xf32, #tpu.memory_space<vmem>>, vector<1x16xf32>,
      %get3A_632 = vector.shape_cast %get3A_631 : vector<1x16xf32> to vector<16xf32>
      %mul3A_633 = arith.mulf %div3A_51, %get3A_632 : vector<16xf32>
      %add3A_634 = arith.addf %add3A_627, %mul3A_633 : vector<16xf32>
      %get3A_635 = arith.constant 63 : i32
      %get3A_636 = arith.index_cast %get3A_635 : i32 to index
      %get3A_637 = arith.constant 0 : index
      %get3A_638 = tpu.vector_load %arg12[%get3A_636, %get3A_637] {strides = array<i32>} : memref<64x16xf32, #tpu.memory_space<vmem>>, vector<1x16xf32>,
      %get3A_639 = vector.shape_cast %get3A_638 : vector<1x16xf32> to vector<16xf32>
      %mul3A_640 = arith.mulf %div3A_69, %get3A_639 : vector<16xf32>
      %add3A_641 = arith.addf %add3A_634, %mul3A_640 : vector<16xf32>
      %max3A_642 = arith.constant 0.000000e+00 : f32
      %max3A_643 = vector.broadcast %max3A_642 : f32 to vector<16xf32>
      %max3A_644 = arith.maximumf %add3A_641, %max3A_643 : vector<16xf32>
      %get3A_645 = arith.constant 0 : i32
      %get3A_646 = arith.index_cast %get3A_645 : i32 to index
      %get3A_647 = arith.constant 0 : index
      %get3A_648 = tpu.vector_load %arg15[%get3A_646, %get3A_647] {strides = array<i32>} : memref<4x16xf32, #tpu.memory_space<vmem>>, vector<1x16xf32>,
      %get3A_649 = vector.shape_cast %get3A_648 : vector<1x16xf32> to vector<16xf32>
      %get3A_650 = arith.constant 0 : i32
      %get3A_651 = arith.index_cast %get3A_650 : i32 to index
      %get3A_652 = arith.constant 0 : index
      %get3A_653 = tpu.vector_load %arg14[%get3A_651, %get3A_652] {strides = array<i32>} : memref<64x16xf32, #tpu.memory_space<vmem>>, vector<1x16xf32>,
      %get3A_654 = vector.shape_cast %get3A_653 : vector<1x16xf32> to vector<16xf32>
      %mul3A_655 = arith.mulf %max3A_104, %get3A_654 : vector<16xf32>
      %add3A_656 = arith.addf %get3A_649, %mul3A_655 : vector<16xf32>
      %get3A_657 = arith.constant 4 : i32
      %get3A_658 = arith.index_cast %get3A_657 : i32 to index
      %get3A_659 = arith.constant 0 : index
      %get3A_660 = tpu.vector_load %arg14[%get3A_658, %get3A_659] {strides = array<i32>} : memref<64x16xf32, #tpu.memory_space<vmem>>, vector<1x16xf32>,
      %get3A_661 = vector.shape_cast %get3A_660 : vector<1x16xf32> to vector<16xf32>
      %mul3A_662 = arith.mulf %max3A_140, %get3A_661 : vector<16xf32>
      %add3A_663 = arith.addf %add3A_656, %mul3A_662 : vector<16xf32>
      %get3A_664 = arith.constant 8 : i32
      %get3A_665 = arith.index_cast %get3A_664 : i32 to index
      %get3A_666 = arith.constant 0 : index
      %get3A_667 = tpu.vector_load %arg14[%get3A_665, %get3A_666] {strides = array<i32>} : memref<64x16xf32, #tpu.memory_space<vmem>>, vector<1x16xf32>,
      %get3A_668 = vector.shape_cast %get3A_667 : vector<1x16xf32> to vector<16xf32>
      %mul3A_669 = arith.mulf %max3A_176, %get3A_668 : vector<16xf32>
      %add3A_670 = arith.addf %add3A_663, %mul3A_669 : vector<16xf32>
      %get3A_671 = arith.constant 12 : i32
      %get3A_672 = arith.index_cast %get3A_671 : i32 to index
      %get3A_673 = arith.constant 0 : index
      %get3A_674 = tpu.vector_load %arg14[%get3A_672, %get3A_673] {strides = array<i32>} : memref<64x16xf32, #tpu.memory_space<vmem>>, vector<1x16xf32>,
      %get3A_675 = vector.shape_cast %get3A_674 : vector<1x16xf32> to vector<16xf32>
      %mul3A_676 = arith.mulf %max3A_212, %get3A_675 : vector<16xf32>
      %add3A_677 = arith.addf %add3A_670, %mul3A_676 : vector<16xf32>
      %get3A_678 = arith.constant 16 : i32
      %get3A_679 = arith.index_cast %get3A_678 : i32 to index
      %get3A_680 = arith.constant 0 : index
      %get3A_681 = tpu.vector_load %arg14[%get3A_679, %get3A_680] {strides = array<i32>} : memref<64x16xf32, #tpu.memory_space<vmem>>, vector<1x16xf32>,
      %get3A_682 = vector.shape_cast %get3A_681 : vector<1x16xf32> to vector<16xf32>
      %mul3A_683 = arith.mulf %max3A_248, %get3A_682 : vector<16xf32>
      %add3A_684 = arith.addf %add3A_677, %mul3A_683 : vector<16xf32>
      %get3A_685 = arith.constant 20 : i32
      %get3A_686 = arith.index_cast %get3A_685 : i32 to index
      %get3A_687 = arith.constant 0 : index
      %get3A_688 = tpu.vector_load %arg14[%get3A_686, %get3A_687] {strides = array<i32>} : memref<64x16xf32, #tpu.memory_space<vmem>>, vector<1x16xf32>,
      %get3A_689 = vector.shape_cast %get3A_688 : vector<1x16xf32> to vector<16xf32>
      %mul3A_690 = arith.mulf %max3A_284, %get3A_689 : vector<16xf32>
      %add3A_691 = arith.addf %add3A_684, %mul3A_690 : vector<16xf32>
      %get3A_692 = arith.constant 24 : i32
      %get3A_693 = arith.index_cast %get3A_692 : i32 to index
      %get3A_694 = arith.constant 0 : index
      %get3A_695 = tpu.vector_load %arg14[%get3A_693, %get3A_694] {strides = array<i32>} : memref<64x16xf32, #tpu.memory_space<vmem>>, vector<1x16xf32>,
      %get3A_696 = vector.shape_cast %get3A_695 : vector<1x16xf32> to vector<16xf32>
      %mul3A_697 = arith.mulf %max3A_320, %get3A_696 : vector<16xf32>
      %add3A_698 = arith.addf %add3A_691, %mul3A_697 : vector<16xf32>
      %get3A_699 = arith.constant 28 : i32
      %get3A_700 = arith.index_cast %get3A_699 : i32 to index
      %get3A_701 = arith.constant 0 : index
      %get3A_702 = tpu.vector_load %arg14[%get3A_700, %get3A_701] {strides = array<i32>} : memref<64x16xf32, #tpu.memory_space<vmem>>, vector<1x16xf32>,
      %get3A_703 = vector.shape_cast %get3A_702 : vector<1x16xf32> to vector<16xf32>
      %mul3A_704 = arith.mulf %max3A_356, %get3A_703 : vector<16xf32>
      %add3A_705 = arith.addf %add3A_698, %mul3A_704 : vector<16xf32>
      %get3A_706 = arith.constant 32 : i32
      %get3A_707 = arith.index_cast %get3A_706 : i32 to index
      %get3A_708 = arith.constant 0 : index
      %get3A_709 = tpu.vector_load %arg14[%get3A_707, %get3A_708] {strides = array<i32>} : memref<64x16xf32, #tpu.memory_space<vmem>>, vector<1x16xf32>,
      %get3A_710 = vector.shape_cast %get3A_709 : vector<1x16xf32> to vector<16xf32>
      %mul3A_711 = arith.mulf %max3A_392, %get3A_710 : vector<16xf32>
      %add3A_712 = arith.addf %add3A_705, %mul3A_711 : vector<16xf32>
      %get3A_713 = arith.constant 36 : i32
      %get3A_714 = arith.index_cast %get3A_713 : i32 to index
      %get3A_715 = arith.constant 0 : index
      %get3A_716 = tpu.vector_load %arg14[%get3A_714, %get3A_715] {strides = array<i32>} : memref<64x16xf32, #tpu.memory_space<vmem>>, vector<1x16xf32>,
      %get3A_717 = vector.shape_cast %get3A_716 : vector<1x16xf32> to vector<16xf32>
      %mul3A_718 = arith.mulf %max3A_428, %get3A_717 : vector<16xf32>
      %add3A_719 = arith.addf %add3A_712, %mul3A_718 : vector<16xf32>
      %get3A_720 = arith.constant 40 : i32
      %get3A_721 = arith.index_cast %get3A_720 : i32 to index
      %get3A_722 = arith.constant 0 : index
      %get3A_723 = tpu.vector_load %arg14[%get3A_721, %get3A_722] {strides = array<i32>} : memref<64x16xf32, #tpu.memory_space<vmem>>, vector<1x16xf32>,
      %get3A_724 = vector.shape_cast %get3A_723 : vector<1x16xf32> to vector<16xf32>
      %mul3A_725 = arith.mulf %max3A_464, %get3A_724 : vector<16xf32>
      %add3A_726 = arith.addf %add3A_719, %mul3A_725 : vector<16xf32>
      %get3A_727 = arith.constant 44 : i32
      %get3A_728 = arith.index_cast %get3A_727 : i32 to index
      %get3A_729 = arith.constant 0 : index
      %get3A_730 = tpu.vector_load %arg14[%get3A_728, %get3A_729] {strides = array<i32>} : memref<64x16xf32, #tpu.memory_space<vmem>>, vector<1x16xf32>,
      %get3A_731 = vector.shape_cast %get3A_730 : vector<1x16xf32> to vector<16xf32>
      %mul3A_732 = arith.mulf %max3A_500, %get3A_731 : vector<16xf32>
      %add3A_733 = arith.addf %add3A_726, %mul3A_732 : vector<16xf32>
      %get3A_734 = arith.constant 48 : i32
      %get3A_735 = arith.index_cast %get3A_734 : i32 to index
      %get3A_736 = arith.constant 0 : index
      %get3A_737 = tpu.vector_load %arg14[%get3A_735, %get3A_736] {strides = array<i32>} : memref<64x16xf32, #tpu.memory_space<vmem>>, vector<1x16xf32>,
      %get3A_738 = vector.shape_cast %get3A_737 : vector<1x16xf32> to vector<16xf32>
      %mul3A_739 = arith.mulf %max3A_536, %get3A_738 : vector<16xf32>
      %add3A_740 = arith.addf %add3A_733, %mul3A_739 : vector<16xf32>
      %get3A_741 = arith.constant 52 : i32
      %get3A_742 = arith.index_cast %get3A_741 : i32 to index
      %get3A_743 = arith.constant 0 : index
      %get3A_744 = tpu.vector_load %arg14[%get3A_742, %get3A_743] {strides = array<i32>} : memref<64x16xf32, #tpu.memory_space<vmem>>, vector<1x16xf32>,
      %get3A_745 = vector.shape_cast %get3A_744 : vector<1x16xf32> to vector<16xf32>
      %mul3A_746 = arith.mulf %max3A_572, %get3A_745 : vector<16xf32>
      %add3A_747 = arith.addf %add3A_740, %mul3A_746 : vector<16xf32>
      %get3A_748 = arith.constant 56 : i32
      %get3A_749 = arith.index_cast %get3A_748 : i32 to index
      %get3A_750 = arith.constant 0 : index
      %get3A_751 = tpu.vector_load %arg14[%get3A_749, %get3A_750] {strides = array<i32>} : memref<64x16xf32, #tpu.memory_space<vmem>>, vector<1x16xf32>,
      %get3A_752 = vector.shape_cast %get3A_751 : vector<1x16xf32> to vector<16xf32>
      %mul3A_753 = arith.mulf %max3A_608, %get3A_752 : vector<16xf32>
      %add3A_754 = arith.addf %add3A_747, %mul3A_753 : vector<16xf32>
      %get3A_755 = arith.constant 60 : i32
      %get3A_756 = arith.index_cast %get3A_755 : i32 to index
      %get3A_757 = arith.constant 0 : index
      %get3A_758 = tpu.vector_load %arg14[%get3A_756, %get3A_757] {strides = array<i32>} : memref<64x16xf32, #tpu.memory_space<vmem>>, vector<1x16xf32>,
      %get3A_759 = vector.shape_cast %get3A_758 : vector<1x16xf32> to vector<16xf32>
      %mul3A_760 = arith.mulf %max3A_644, %get3A_759 : vector<16xf32>
      %add3A_761 = arith.addf %add3A_754, %mul3A_760 : vector<16xf32>
      %get3A_762 = arith.constant 1 : i32
      %get3A_763 = arith.index_cast %get3A_762 : i32 to index
      %get3A_764 = arith.constant 0 : index
      %get3A_765 = tpu.vector_load %arg15[%get3A_763, %get3A_764] {strides = array<i32>} : memref<4x16xf32, #tpu.memory_space<vmem>>, vector<1x16xf32>,
      %get3A_766 = vector.shape_cast %get3A_765 : vector<1x16xf32> to vector<16xf32>
      %get3A_767 = arith.constant 1 : i32
      %get3A_768 = arith.index_cast %get3A_767 : i32 to index
      %get3A_769 = arith.constant 0 : index
      %get3A_770 = tpu.vector_load %arg14[%get3A_768, %get3A_769] {strides = array<i32>} : memref<64x16xf32, #tpu.memory_space<vmem>>, vector<1x16xf32>,
      %get3A_771 = vector.shape_cast %get3A_770 : vector<1x16xf32> to vector<16xf32>
      %mul3A_772 = arith.mulf %max3A_104, %get3A_771 : vector<16xf32>
      %add3A_773 = arith.addf %get3A_766, %mul3A_772 : vector<16xf32>
      %get3A_774 = arith.constant 5 : i32
      %get3A_775 = arith.index_cast %get3A_774 : i32 to index
      %get3A_776 = arith.constant 0 : index
      %get3A_777 = tpu.vector_load %arg14[%get3A_775, %get3A_776] {strides = array<i32>} : memref<64x16xf32, #tpu.memory_space<vmem>>, vector<1x16xf32>,
      %get3A_778 = vector.shape_cast %get3A_777 : vector<1x16xf32> to vector<16xf32>
      %mul3A_779 = arith.mulf %max3A_140, %get3A_778 : vector<16xf32>
      %add3A_780 = arith.addf %add3A_773, %mul3A_779 : vector<16xf32>
      %get3A_781 = arith.constant 9 : i32
      %get3A_782 = arith.index_cast %get3A_781 : i32 to index
      %get3A_783 = arith.constant 0 : index
      %get3A_784 = tpu.vector_load %arg14[%get3A_782, %get3A_783] {strides = array<i32>} : memref<64x16xf32, #tpu.memory_space<vmem>>, vector<1x16xf32>,
      %get3A_785 = vector.shape_cast %get3A_784 : vector<1x16xf32> to vector<16xf32>
      %mul3A_786 = arith.mulf %max3A_176, %get3A_785 : vector<16xf32>
      %add3A_787 = arith.addf %add3A_780, %mul3A_786 : vector<16xf32>
      %get3A_788 = arith.constant 13 : i32
      %get3A_789 = arith.index_cast %get3A_788 : i32 to index
      %get3A_790 = arith.constant 0 : index
      %get3A_791 = tpu.vector_load %arg14[%get3A_789, %get3A_790] {strides = array<i32>} : memref<64x16xf32, #tpu.memory_space<vmem>>, vector<1x16xf32>,
      %get3A_792 = vector.shape_cast %get3A_791 : vector<1x16xf32> to vector<16xf32>
      %mul3A_793 = arith.mulf %max3A_212, %get3A_792 : vector<16xf32>
      %add3A_794 = arith.addf %add3A_787, %mul3A_793 : vector<16xf32>
      %get3A_795 = arith.constant 17 : i32
      %get3A_796 = arith.index_cast %get3A_795 : i32 to index
      %get3A_797 = arith.constant 0 : index
      %get3A_798 = tpu.vector_load %arg14[%get3A_796, %get3A_797] {strides = array<i32>} : memref<64x16xf32, #tpu.memory_space<vmem>>, vector<1x16xf32>,
      %get3A_799 = vector.shape_cast %get3A_798 : vector<1x16xf32> to vector<16xf32>
      %mul3A_800 = arith.mulf %max3A_248, %get3A_799 : vector<16xf32>
      %add3A_801 = arith.addf %add3A_794, %mul3A_800 : vector<16xf32>
      %get3A_802 = arith.constant 21 : i32
      %get3A_803 = arith.index_cast %get3A_802 : i32 to index
      %get3A_804 = arith.constant 0 : index
      %get3A_805 = tpu.vector_load %arg14[%get3A_803, %get3A_804] {strides = array<i32>} : memref<64x16xf32, #tpu.memory_space<vmem>>, vector<1x16xf32>,
      %get3A_806 = vector.shape_cast %get3A_805 : vector<1x16xf32> to vector<16xf32>
      %mul3A_807 = arith.mulf %max3A_284, %get3A_806 : vector<16xf32>
      %add3A_808 = arith.addf %add3A_801, %mul3A_807 : vector<16xf32>
      %get3A_809 = arith.constant 25 : i32
      %get3A_810 = arith.index_cast %get3A_809 : i32 to index
      %get3A_811 = arith.constant 0 : index
      %get3A_812 = tpu.vector_load %arg14[%get3A_810, %get3A_811] {strides = array<i32>} : memref<64x16xf32, #tpu.memory_space<vmem>>, vector<1x16xf32>,
      %get3A_813 = vector.shape_cast %get3A_812 : vector<1x16xf32> to vector<16xf32>
      %mul3A_814 = arith.mulf %max3A_320, %get3A_813 : vector<16xf32>
      %add3A_815 = arith.addf %add3A_808, %mul3A_814 : vector<16xf32>
      %get3A_816 = arith.constant 29 : i32
      %get3A_817 = arith.index_cast %get3A_816 : i32 to index
      %get3A_818 = arith.constant 0 : index
      %get3A_819 = tpu.vector_load %arg14[%get3A_817, %get3A_818] {strides = array<i32>} : memref<64x16xf32, #tpu.memory_space<vmem>>, vector<1x16xf32>,
      %get3A_820 = vector.shape_cast %get3A_819 : vector<1x16xf32> to vector<16xf32>
      %mul3A_821 = arith.mulf %max3A_356, %get3A_820 : vector<16xf32>
      %add3A_822 = arith.addf %add3A_815, %mul3A_821 : vector<16xf32>
      %get3A_823 = arith.constant 33 : i32
      %get3A_824 = arith.index_cast %get3A_823 : i32 to index
      %get3A_825 = arith.constant 0 : index
      %get3A_826 = tpu.vector_load %arg14[%get3A_824, %get3A_825] {strides = array<i32>} : memref<64x16xf32, #tpu.memory_space<vmem>>, vector<1x16xf32>,
      %get3A_827 = vector.shape_cast %get3A_826 : vector<1x16xf32> to vector<16xf32>
      %mul3A_828 = arith.mulf %max3A_392, %get3A_827 : vector<16xf32>
      %add3A_829 = arith.addf %add3A_822, %mul3A_828 : vector<16xf32>
      %get3A_830 = arith.constant 37 : i32
      %get3A_831 = arith.index_cast %get3A_830 : i32 to index
      %get3A_832 = arith.constant 0 : index
      %get3A_833 = tpu.vector_load %arg14[%get3A_831, %get3A_832] {strides = array<i32>} : memref<64x16xf32, #tpu.memory_space<vmem>>, vector<1x16xf32>,
      %get3A_834 = vector.shape_cast %get3A_833 : vector<1x16xf32> to vector<16xf32>
      %mul3A_835 = arith.mulf %max3A_428, %get3A_834 : vector<16xf32>
      %add3A_836 = arith.addf %add3A_829, %mul3A_835 : vector<16xf32>
      %get3A_837 = arith.constant 41 : i32
      %get3A_838 = arith.index_cast %get3A_837 : i32 to index
      %get3A_839 = arith.constant 0 : index
      %get3A_840 = tpu.vector_load %arg14[%get3A_838, %get3A_839] {strides = array<i32>} : memref<64x16xf32, #tpu.memory_space<vmem>>, vector<1x16xf32>,
      %get3A_841 = vector.shape_cast %get3A_840 : vector<1x16xf32> to vector<16xf32>
      %mul3A_842 = arith.mulf %max3A_464, %get3A_841 : vector<16xf32>
      %add3A_843 = arith.addf %add3A_836, %mul3A_842 : vector<16xf32>
      %get3A_844 = arith.constant 45 : i32
      %get3A_845 = arith.index_cast %get3A_844 : i32 to index
      %get3A_846 = arith.constant 0 : index
      %get3A_847 = tpu.vector_load %arg14[%get3A_845, %get3A_846] {strides = array<i32>} : memref<64x16xf32, #tpu.memory_space<vmem>>, vector<1x16xf32>,
      %get3A_848 = vector.shape_cast %get3A_847 : vector<1x16xf32> to vector<16xf32>
      %mul3A_849 = arith.mulf %max3A_500, %get3A_848 : vector<16xf32>
      %add3A_850 = arith.addf %add3A_843, %mul3A_849 : vector<16xf32>
      %get3A_851 = arith.constant 49 : i32
      %get3A_852 = arith.index_cast %get3A_851 : i32 to index
      %get3A_853 = arith.constant 0 : index
      %get3A_854 = tpu.vector_load %arg14[%get3A_852, %get3A_853] {strides = array<i32>} : memref<64x16xf32, #tpu.memory_space<vmem>>, vector<1x16xf32>,
      %get3A_855 = vector.shape_cast %get3A_854 : vector<1x16xf32> to vector<16xf32>
      %mul3A_856 = arith.mulf %max3A_536, %get3A_855 : vector<16xf32>
      %add3A_857 = arith.addf %add3A_850, %mul3A_856 : vector<16xf32>
      %get3A_858 = arith.constant 53 : i32
      %get3A_859 = arith.index_cast %get3A_858 : i32 to index
      %get3A_860 = arith.constant 0 : index
      %get3A_861 = tpu.vector_load %arg14[%get3A_859, %get3A_860] {strides = array<i32>} : memref<64x16xf32, #tpu.memory_space<vmem>>, vector<1x16xf32>,
      %get3A_862 = vector.shape_cast %get3A_861 : vector<1x16xf32> to vector<16xf32>
      %mul3A_863 = arith.mulf %max3A_572, %get3A_862 : vector<16xf32>
      %add3A_864 = arith.addf %add3A_857, %mul3A_863 : vector<16xf32>
      %get3A_865 = arith.constant 57 : i32
      %get3A_866 = arith.index_cast %get3A_865 : i32 to index
      %get3A_867 = arith.constant 0 : index
      %get3A_868 = tpu.vector_load %arg14[%get3A_866, %get3A_867] {strides = array<i32>} : memref<64x16xf32, #tpu.memory_space<vmem>>, vector<1x16xf32>,
      %get3A_869 = vector.shape_cast %get3A_868 : vector<1x16xf32> to vector<16xf32>
      %mul3A_870 = arith.mulf %max3A_608, %get3A_869 : vector<16xf32>
      %add3A_871 = arith.addf %add3A_864, %mul3A_870 : vector<16xf32>
      %get3A_872 = arith.constant 61 : i32
      %get3A_873 = arith.index_cast %get3A_872 : i32 to index
      %get3A_874 = arith.constant 0 : index
      %get3A_875 = tpu.vector_load %arg14[%get3A_873, %get3A_874] {strides = array<i32>} : memref<64x16xf32, #tpu.memory_space<vmem>>, vector<1x16xf32>,
      %get3A_876 = vector.shape_cast %get3A_875 : vector<1x16xf32> to vector<16xf32>
      %mul3A_877 = arith.mulf %max3A_644, %get3A_876 : vector<16xf32>
      %add3A_878 = arith.addf %add3A_871, %mul3A_877 : vector<16xf32>
      %get3A_879 = arith.constant 2 : i32
      %get3A_880 = arith.index_cast %get3A_879 : i32 to index
      %get3A_881 = arith.constant 0 : index
      %get3A_882 = tpu.vector_load %arg15[%get3A_880, %get3A_881] {strides = array<i32>} : memref<4x16xf32, #tpu.memory_space<vmem>>, vector<1x16xf32>,
      %get3A_883 = vector.shape_cast %get3A_882 : vector<1x16xf32> to vector<16xf32>
      %get3A_884 = arith.constant 2 : i32
      %get3A_885 = arith.index_cast %get3A_884 : i32 to index
      %get3A_886 = arith.constant 0 : index
      %get3A_887 = tpu.vector_load %arg14[%get3A_885, %get3A_886] {strides = array<i32>} : memref<64x16xf32, #tpu.memory_space<vmem>>, vector<1x16xf32>,
      %get3A_888 = vector.shape_cast %get3A_887 : vector<1x16xf32> to vector<16xf32>
      %mul3A_889 = arith.mulf %max3A_104, %get3A_888 : vector<16xf32>
      %add3A_890 = arith.addf %get3A_883, %mul3A_889 : vector<16xf32>
      %get3A_891 = arith.constant 6 : i32
      %get3A_892 = arith.index_cast %get3A_891 : i32 to index
      %get3A_893 = arith.constant 0 : index
      %get3A_894 = tpu.vector_load %arg14[%get3A_892, %get3A_893] {strides = array<i32>} : memref<64x16xf32, #tpu.memory_space<vmem>>, vector<1x16xf32>,
      %get3A_895 = vector.shape_cast %get3A_894 : vector<1x16xf32> to vector<16xf32>
      %mul3A_896 = arith.mulf %max3A_140, %get3A_895 : vector<16xf32>
      %add3A_897 = arith.addf %add3A_890, %mul3A_896 : vector<16xf32>
      %get3A_898 = arith.constant 10 : i32
      %get3A_899 = arith.index_cast %get3A_898 : i32 to index
      %get3A_900 = arith.constant 0 : index
      %get3A_901 = tpu.vector_load %arg14[%get3A_899, %get3A_900] {strides = array<i32>} : memref<64x16xf32, #tpu.memory_space<vmem>>, vector<1x16xf32>,
      %get3A_902 = vector.shape_cast %get3A_901 : vector<1x16xf32> to vector<16xf32>
      %mul3A_903 = arith.mulf %max3A_176, %get3A_902 : vector<16xf32>
      %add3A_904 = arith.addf %add3A_897, %mul3A_903 : vector<16xf32>
      %get3A_905 = arith.constant 14 : i32
      %get3A_906 = arith.index_cast %get3A_905 : i32 to index
      %get3A_907 = arith.constant 0 : index
      %get3A_908 = tpu.vector_load %arg14[%get3A_906, %get3A_907] {strides = array<i32>} : memref<64x16xf32, #tpu.memory_space<vmem>>, vector<1x16xf32>,
      %get3A_909 = vector.shape_cast %get3A_908 : vector<1x16xf32> to vector<16xf32>
      %mul3A_910 = arith.mulf %max3A_212, %get3A_909 : vector<16xf32>
      %add3A_911 = arith.addf %add3A_904, %mul3A_910 : vector<16xf32>
      %get3A_912 = arith.constant 18 : i32
      %get3A_913 = arith.index_cast %get3A_912 : i32 to index
      %get3A_914 = arith.constant 0 : index
      %get3A_915 = tpu.vector_load %arg14[%get3A_913, %get3A_914] {strides = array<i32>} : memref<64x16xf32, #tpu.memory_space<vmem>>, vector<1x16xf32>,
      %get3A_916 = vector.shape_cast %get3A_915 : vector<1x16xf32> to vector<16xf32>
      %mul3A_917 = arith.mulf %max3A_248, %get3A_916 : vector<16xf32>
      %add3A_918 = arith.addf %add3A_911, %mul3A_917 : vector<16xf32>
      %get3A_919 = arith.constant 22 : i32
      %get3A_920 = arith.index_cast %get3A_919 : i32 to index
      %get3A_921 = arith.constant 0 : index
      %get3A_922 = tpu.vector_load %arg14[%get3A_920, %get3A_921] {strides = array<i32>} : memref<64x16xf32, #tpu.memory_space<vmem>>, vector<1x16xf32>,
      %get3A_923 = vector.shape_cast %get3A_922 : vector<1x16xf32> to vector<16xf32>
      %mul3A_924 = arith.mulf %max3A_284, %get3A_923 : vector<16xf32>
      %add3A_925 = arith.addf %add3A_918, %mul3A_924 : vector<16xf32>
      %get3A_926 = arith.constant 26 : i32
      %get3A_927 = arith.index_cast %get3A_926 : i32 to index
      %get3A_928 = arith.constant 0 : index
      %get3A_929 = tpu.vector_load %arg14[%get3A_927, %get3A_928] {strides = array<i32>} : memref<64x16xf32, #tpu.memory_space<vmem>>, vector<1x16xf32>,
      %get3A_930 = vector.shape_cast %get3A_929 : vector<1x16xf32> to vector<16xf32>
      %mul3A_931 = arith.mulf %max3A_320, %get3A_930 : vector<16xf32>
      %add3A_932 = arith.addf %add3A_925, %mul3A_931 : vector<16xf32>
      %get3A_933 = arith.constant 30 : i32
      %get3A_934 = arith.index_cast %get3A_933 : i32 to index
      %get3A_935 = arith.constant 0 : index
      %get3A_936 = tpu.vector_load %arg14[%get3A_934, %get3A_935] {strides = array<i32>} : memref<64x16xf32, #tpu.memory_space<vmem>>, vector<1x16xf32>,
      %get3A_937 = vector.shape_cast %get3A_936 : vector<1x16xf32> to vector<16xf32>
      %mul3A_938 = arith.mulf %max3A_356, %get3A_937 : vector<16xf32>
      %add3A_939 = arith.addf %add3A_932, %mul3A_938 : vector<16xf32>
      %get3A_940 = arith.constant 34 : i32
      %get3A_941 = arith.index_cast %get3A_940 : i32 to index
      %get3A_942 = arith.constant 0 : index
      %get3A_943 = tpu.vector_load %arg14[%get3A_941, %get3A_942] {strides = array<i32>} : memref<64x16xf32, #tpu.memory_space<vmem>>, vector<1x16xf32>,
      %get3A_944 = vector.shape_cast %get3A_943 : vector<1x16xf32> to vector<16xf32>
      %mul3A_945 = arith.mulf %max3A_392, %get3A_944 : vector<16xf32>
      %add3A_946 = arith.addf %add3A_939, %mul3A_945 : vector<16xf32>
      %get3A_947 = arith.constant 38 : i32
      %get3A_948 = arith.index_cast %get3A_947 : i32 to index
      %get3A_949 = arith.constant 0 : index
      %get3A_950 = tpu.vector_load %arg14[%get3A_948, %get3A_949] {strides = array<i32>} : memref<64x16xf32, #tpu.memory_space<vmem>>, vector<1x16xf32>,
      %get3A_951 = vector.shape_cast %get3A_950 : vector<1x16xf32> to vector<16xf32>
      %mul3A_952 = arith.mulf %max3A_428, %get3A_951 : vector<16xf32>
      %add3A_953 = arith.addf %add3A_946, %mul3A_952 : vector<16xf32>
      %get3A_954 = arith.constant 42 : i32
      %get3A_955 = arith.index_cast %get3A_954 : i32 to index
      %get3A_956 = arith.constant 0 : index
      %get3A_957 = tpu.vector_load %arg14[%get3A_955, %get3A_956] {strides = array<i32>} : memref<64x16xf32, #tpu.memory_space<vmem>>, vector<1x16xf32>,
      %get3A_958 = vector.shape_cast %get3A_957 : vector<1x16xf32> to vector<16xf32>
      %mul3A_959 = arith.mulf %max3A_464, %get3A_958 : vector<16xf32>
      %add3A_960 = arith.addf %add3A_953, %mul3A_959 : vector<16xf32>
      %get3A_961 = arith.constant 46 : i32
      %get3A_962 = arith.index_cast %get3A_961 : i32 to index
      %get3A_963 = arith.constant 0 : index
      %get3A_964 = tpu.vector_load %arg14[%get3A_962, %get3A_963] {strides = array<i32>} : memref<64x16xf32, #tpu.memory_space<vmem>>, vector<1x16xf32>,
      %get3A_965 = vector.shape_cast %get3A_964 : vector<1x16xf32> to vector<16xf32>
      %mul3A_966 = arith.mulf %max3A_500, %get3A_965 : vector<16xf32>
      %add3A_967 = arith.addf %add3A_960, %mul3A_966 : vector<16xf32>
      %get3A_968 = arith.constant 50 : i32
      %get3A_969 = arith.index_cast %get3A_968 : i32 to index
      %get3A_970 = arith.constant 0 : index
      %get3A_971 = tpu.vector_load %arg14[%get3A_969, %get3A_970] {strides = array<i32>} : memref<64x16xf32, #tpu.memory_space<vmem>>, vector<1x16xf32>,
      %get3A_972 = vector.shape_cast %get3A_971 : vector<1x16xf32> to vector<16xf32>
      %mul3A_973 = arith.mulf %max3A_536, %get3A_972 : vector<16xf32>
      %add3A_974 = arith.addf %add3A_967, %mul3A_973 : vector<16xf32>
      %get3A_975 = arith.constant 54 : i32
      %get3A_976 = arith.index_cast %get3A_975 : i32 to index
      %get3A_977 = arith.constant 0 : index
      %get3A_978 = tpu.vector_load %arg14[%get3A_976, %get3A_977] {strides = array<i32>} : memref<64x16xf32, #tpu.memory_space<vmem>>, vector<1x16xf32>,
      %get3A_979 = vector.shape_cast %get3A_978 : vector<1x16xf32> to vector<16xf32>
      %mul3A_980 = arith.mulf %max3A_572, %get3A_979 : vector<16xf32>
      %add3A_981 = arith.addf %add3A_974, %mul3A_980 : vector<16xf32>
      %get3A_982 = arith.constant 58 : i32
      %get3A_983 = arith.index_cast %get3A_982 : i32 to index
      %get3A_984 = arith.constant 0 : index
      %get3A_985 = tpu.vector_load %arg14[%get3A_983, %get3A_984] {strides = array<i32>} : memref<64x16xf32, #tpu.memory_space<vmem>>, vector<1x16xf32>,
      %get3A_986 = vector.shape_cast %get3A_985 : vector<1x16xf32> to vector<16xf32>
      %mul3A_987 = arith.mulf %max3A_608, %get3A_986 : vector<16xf32>
      %add3A_988 = arith.addf %add3A_981, %mul3A_987 : vector<16xf32>
      %get3A_989 = arith.constant 62 : i32
      %get3A_990 = arith.index_cast %get3A_989 : i32 to index
      %get3A_991 = arith.constant 0 : index
      %get3A_992 = tpu.vector_load %arg14[%get3A_990, %get3A_991] {strides = array<i32>} : memref<64x16xf32, #tpu.memory_space<vmem>>, vector<1x16xf32>,
      %get3A_993 = vector.shape_cast %get3A_992 : vector<1x16xf32> to vector<16xf32>
      %mul3A_994 = arith.mulf %max3A_644, %get3A_993 : vector<16xf32>
      %add3A_995 = arith.addf %add3A_988, %mul3A_994 : vector<16xf32>
      %get3A_996 = arith.constant 3 : i32
      %get3A_997 = arith.index_cast %get3A_996 : i32 to index
      %get3A_998 = arith.constant 0 : index
      %get3A_999 = tpu.vector_load %arg15[%get3A_997, %get3A_998] {strides = array<i32>} : memref<4x16xf32, #tpu.memory_space<vmem>>, vector<1x16xf32>,
      %get3A_1000 = vector.shape_cast %get3A_999 : vector<1x16xf32> to vector<16xf32>
      %get3A_1001 = arith.constant 3 : i32
      %get3A_1002 = arith.index_cast %get3A_1001 : i32 to index
      %get3A_1003 = arith.constant 0 : index
      %get3A_1004 = tpu.vector_load %arg14[%get3A_1002, %get3A_1003] {strides = array<i32>} : memref<64x16xf32, #tpu.memory_space<vmem>>, vector<1x16xf32>,
      %get3A_1005 = vector.shape_cast %get3A_1004 : vector<1x16xf32> to vector<16xf32>
      %mul3A_1006 = arith.mulf %max3A_104, %get3A_1005 : vector<16xf32>
      %add3A_1007 = arith.addf %get3A_1000, %mul3A_1006 : vector<16xf32>
      %get3A_1008 = arith.constant 7 : i32
      %get3A_1009 = arith.index_cast %get3A_1008 : i32 to index
      %get3A_1010 = arith.constant 0 : index
      %get3A_1011 = tpu.vector_load %arg14[%get3A_1009, %get3A_1010] {strides = array<i32>} : memref<64x16xf32, #tpu.memory_space<vmem>>, vector<1x16xf32>,
      %get3A_1012 = vector.shape_cast %get3A_1011 : vector<1x16xf32> to vector<16xf32>
      %mul3A_1013 = arith.mulf %max3A_140, %get3A_1012 : vector<16xf32>
      %add3A_1014 = arith.addf %add3A_1007, %mul3A_1013 : vector<16xf32>
      %get3A_1015 = arith.constant 11 : i32
      %get3A_1016 = arith.index_cast %get3A_1015 : i32 to index
      %get3A_1017 = arith.constant 0 : index
      %get3A_1018 = tpu.vector_load %arg14[%get3A_1016, %get3A_1017] {strides = array<i32>} : memref<64x16xf32, #tpu.memory_space<vmem>>, vector<1x16xf32>,
      %get3A_1019 = vector.shape_cast %get3A_1018 : vector<1x16xf32> to vector<16xf32>
      %mul3A_1020 = arith.mulf %max3A_176, %get3A_1019 : vector<16xf32>
      %add3A_1021 = arith.addf %add3A_1014, %mul3A_1020 : vector<16xf32>
      %get3A_1022 = arith.constant 15 : i32
      %get3A_1023 = arith.index_cast %get3A_1022 : i32 to index
      %get3A_1024 = arith.constant 0 : index
      %get3A_1025 = tpu.vector_load %arg14[%get3A_1023, %get3A_1024] {strides = array<i32>} : memref<64x16xf32, #tpu.memory_space<vmem>>, vector<1x16xf32>,
      %get3A_1026 = vector.shape_cast %get3A_1025 : vector<1x16xf32> to vector<16xf32>
      %mul3A_1027 = arith.mulf %max3A_212, %get3A_1026 : vector<16xf32>
      %add3A_1028 = arith.addf %add3A_1021, %mul3A_1027 : vector<16xf32>
      %get3A_1029 = arith.constant 19 : i32
      %get3A_1030 = arith.index_cast %get3A_1029 : i32 to index
      %get3A_1031 = arith.constant 0 : index
      %get3A_1032 = tpu.vector_load %arg14[%get3A_1030, %get3A_1031] {strides = array<i32>} : memref<64x16xf32, #tpu.memory_space<vmem>>, vector<1x16xf32>,
      %get3A_1033 = vector.shape_cast %get3A_1032 : vector<1x16xf32> to vector<16xf32>
      %mul3A_1034 = arith.mulf %max3A_248, %get3A_1033 : vector<16xf32>
      %add3A_1035 = arith.addf %add3A_1028, %mul3A_1034 : vector<16xf32>
      %get3A_1036 = arith.constant 23 : i32
      %get3A_1037 = arith.index_cast %get3A_1036 : i32 to index
      %get3A_1038 = arith.constant 0 : index
      %get3A_1039 = tpu.vector_load %arg14[%get3A_1037, %get3A_1038] {strides = array<i32>} : memref<64x16xf32, #tpu.memory_space<vmem>>, vector<1x16xf32>,
      %get3A_1040 = vector.shape_cast %get3A_1039 : vector<1x16xf32> to vector<16xf32>
      %mul3A_1041 = arith.mulf %max3A_284, %get3A_1040 : vector<16xf32>
      %add3A_1042 = arith.addf %add3A_1035, %mul3A_1041 : vector<16xf32>
      %get3A_1043 = arith.constant 27 : i32
      %get3A_1044 = arith.index_cast %get3A_1043 : i32 to index
      %get3A_1045 = arith.constant 0 : index
      %get3A_1046 = tpu.vector_load %arg14[%get3A_1044, %get3A_1045] {strides = array<i32>} : memref<64x16xf32, #tpu.memory_space<vmem>>, vector<1x16xf32>,
      %get3A_1047 = vector.shape_cast %get3A_1046 : vector<1x16xf32> to vector<16xf32>
      %mul3A_1048 = arith.mulf %max3A_320, %get3A_1047 : vector<16xf32>
      %add3A_1049 = arith.addf %add3A_1042, %mul3A_1048 : vector<16xf32>
      %get3A_1050 = arith.constant 31 : i32
      %get3A_1051 = arith.index_cast %get3A_1050 : i32 to index
      %get3A_1052 = arith.constant 0 : index
      %get3A_1053 = tpu.vector_load %arg14[%get3A_1051, %get3A_1052] {strides = array<i32>} : memref<64x16xf32, #tpu.memory_space<vmem>>, vector<1x16xf32>,
      %get3A_1054 = vector.shape_cast %get3A_1053 : vector<1x16xf32> to vector<16xf32>
      %mul3A_1055 = arith.mulf %max3A_356, %get3A_1054 : vector<16xf32>
      %add3A_1056 = arith.addf %add3A_1049, %mul3A_1055 : vector<16xf32>
      %get3A_1057 = arith.constant 35 : i32
      %get3A_1058 = arith.index_cast %get3A_1057 : i32 to index
      %get3A_1059 = arith.constant 0 : index
      %get3A_1060 = tpu.vector_load %arg14[%get3A_1058, %get3A_1059] {strides = array<i32>} : memref<64x16xf32, #tpu.memory_space<vmem>>, vector<1x16xf32>,
      %get3A_1061 = vector.shape_cast %get3A_1060 : vector<1x16xf32> to vector<16xf32>
      %mul3A_1062 = arith.mulf %max3A_392, %get3A_1061 : vector<16xf32>
      %add3A_1063 = arith.addf %add3A_1056, %mul3A_1062 : vector<16xf32>
      %get3A_1064 = arith.constant 39 : i32
      %get3A_1065 = arith.index_cast %get3A_1064 : i32 to index
      %get3A_1066 = arith.constant 0 : index
      %get3A_1067 = tpu.vector_load %arg14[%get3A_1065, %get3A_1066] {strides = array<i32>} : memref<64x16xf32, #tpu.memory_space<vmem>>, vector<1x16xf32>,
      %get3A_1068 = vector.shape_cast %get3A_1067 : vector<1x16xf32> to vector<16xf32>
      %mul3A_1069 = arith.mulf %max3A_428, %get3A_1068 : vector<16xf32>
      %add3A_1070 = arith.addf %add3A_1063, %mul3A_1069 : vector<16xf32>
      %get3A_1071 = arith.constant 43 : i32
      %get3A_1072 = arith.index_cast %get3A_1071 : i32 to index
      %get3A_1073 = arith.constant 0 : index
      %get3A_1074 = tpu.vector_load %arg14[%get3A_1072, %get3A_1073] {strides = array<i32>} : memref<64x16xf32, #tpu.memory_space<vmem>>, vector<1x16xf32>,
      %get3A_1075 = vector.shape_cast %get3A_1074 : vector<1x16xf32> to vector<16xf32>
      %mul3A_1076 = arith.mulf %max3A_464, %get3A_1075 : vector<16xf32>
      %add3A_1077 = arith.addf %add3A_1070, %mul3A_1076 : vector<16xf32>
      %get3A_1078 = arith.constant 47 : i32
      %get3A_1079 = arith.index_cast %get3A_1078 : i32 to index
      %get3A_1080 = arith.constant 0 : index
      %get3A_1081 = tpu.vector_load %arg14[%get3A_1079, %get3A_1080] {strides = array<i32>} : memref<64x16xf32, #tpu.memory_space<vmem>>, vector<1x16xf32>,
      %get3A_1082 = vector.shape_cast %get3A_1081 : vector<1x16xf32> to vector<16xf32>
      %mul3A_1083 = arith.mulf %max3A_500, %get3A_1082 : vector<16xf32>
      %add3A_1084 = arith.addf %add3A_1077, %mul3A_1083 : vector<16xf32>
      %get3A_1085 = arith.constant 51 : i32
      %get3A_1086 = arith.index_cast %get3A_1085 : i32 to index
      %get3A_1087 = arith.constant 0 : index
      %get3A_1088 = tpu.vector_load %arg14[%get3A_1086, %get3A_1087] {strides = array<i32>} : memref<64x16xf32, #tpu.memory_space<vmem>>, vector<1x16xf32>,
      %get3A_1089 = vector.shape_cast %get3A_1088 : vector<1x16xf32> to vector<16xf32>
      %mul3A_1090 = arith.mulf %max3A_536, %get3A_1089 : vector<16xf32>
      %add3A_1091 = arith.addf %add3A_1084, %mul3A_1090 : vector<16xf32>
      %get3A_1092 = arith.constant 55 : i32
      %get3A_1093 = arith.index_cast %get3A_1092 : i32 to index
      %get3A_1094 = arith.constant 0 : index
      %get3A_1095 = tpu.vector_load %arg14[%get3A_1093, %get3A_1094] {strides = array<i32>} : memref<64x16xf32, #tpu.memory_space<vmem>>, vector<1x16xf32>,
      %get3A_1096 = vector.shape_cast %get3A_1095 : vector<1x16xf32> to vector<16xf32>
      %mul3A_1097 = arith.mulf %max3A_572, %get3A_1096 : vector<16xf32>
      %add3A_1098 = arith.addf %add3A_1091, %mul3A_1097 : vector<16xf32>
      %get3A_1099 = arith.constant 59 : i32
      %get3A_1100 = arith.index_cast %get3A_1099 : i32 to index
      %get3A_1101 = arith.constant 0 : index
      %get3A_1102 = tpu.vector_load %arg14[%get3A_1100, %get3A_1101] {strides = array<i32>} : memref<64x16xf32, #tpu.memory_space<vmem>>, vector<1x16xf32>,
      %get3A_1103 = vector.shape_cast %get3A_1102 : vector<1x16xf32> to vector<16xf32>
      %mul3A_1104 = arith.mulf %max3A_608, %get3A_1103 : vector<16xf32>
      %add3A_1105 = arith.addf %add3A_1098, %mul3A_1104 : vector<16xf32>
      %get3A_1106 = arith.constant 63 : i32
      %get3A_1107 = arith.index_cast %get3A_1106 : i32 to index
      %get3A_1108 = arith.constant 0 : index
      %get3A_1109 = tpu.vector_load %arg14[%get3A_1107, %get3A_1108] {strides = array<i32>} : memref<64x16xf32, #tpu.memory_space<vmem>>, vector<1x16xf32>,
      %get3A_1110 = vector.shape_cast %get3A_1109 : vector<1x16xf32> to vector<16xf32>
      %mul3A_1111 = arith.mulf %max3A_644, %get3A_1110 : vector<16xf32>
      %add3A_1112 = arith.addf %add3A_1105, %mul3A_1111 : vector<16xf32>
      %max3A_1113 = arith.maximumf %add3A_761, %add3A_878 : vector<16xf32>
      %max3A_1114 = arith.maximumf %add3A_995, %add3A_1112 : vector<16xf32>
      %max3A_1115 = arith.maximumf %max3A_1113, %max3A_1114 : vector<16xf32>
      %sub3A = arith.subf %add3A_761, %max3A_1115 : vector<16xf32>
      %exp3A_1116 = math.exp %sub3A : vector<16xf32>
      %sub3A_1117 = arith.subf %add3A_878, %max3A_1115 : vector<16xf32>
      %exp3A_1118 = math.exp %sub3A_1117 : vector<16xf32>
      %sub3A_1119 = arith.subf %add3A_995, %max3A_1115 : vector<16xf32>
      %exp3A_1120 = math.exp %sub3A_1119 : vector<16xf32>
      %sub3A_1121 = arith.subf %add3A_1112, %max3A_1115 : vector<16xf32>
      %exp3A_1122 = math.exp %sub3A_1121 : vector<16xf32>
      %add3A_1123 = arith.addf %exp3A_1116, %exp3A_1118 : vector<16xf32>
      %add3A_1124 = arith.addf %add3A_1123, %exp3A_1120 : vector<16xf32>
      %add3A_1125 = arith.addf %add3A_1124, %exp3A_1122 : vector<16xf32>
      %div3A_1126 = arith.divf %exp3A_1116, %add3A_1125 : vector<16xf32>
      %div3A_1127 = arith.divf %exp3A_1118, %add3A_1125 : vector<16xf32>
      %div3A_1128 = arith.divf %exp3A_1120, %add3A_1125 : vector<16xf32>
      %div3A_1129 = arith.divf %exp3A_1122, %add3A_1125 : vector<16xf32>
      %max3A_1130 = arith.maximumf %div3A_1126, %div3A_1127 : vector<16xf32>
      %max3A_1131 = arith.maximumf %div3A_1128, %div3A_1129 : vector<16xf32>
      %max3A_1132 = arith.maximumf %max3A_1130, %max3A_1131 : vector<16xf32>
      %broadcast_in_dim3A = arith.constant 4 : i32
      %broadcast_in_dim3A_1133 = vector.broadcast %broadcast_in_dim3A : i32 to vector<16xi32>
      %eq3A_1134 = arith.cmpf oeq, %div3A_1129, %max3A_1132 : vector<16xf32>
      %broadcast_in_dim3A_1135 = arith.constant 3 : i32
      %broadcast_in_dim3A_1136 = vector.broadcast %broadcast_in_dim3A_1135 : i32 to vector<16xi32>
      %select_n3A = arith.select %eq3A_1134, %broadcast_in_dim3A_1136, %broadcast_in_dim3A_1133 : vector<16xi1>, vector<16xi32>
      %eq3A_1137 = arith.cmpf oeq, %div3A_1128, %max3A_1132 : vector<16xf32>
      %broadcast_in_dim3A_1138 = arith.constant 2 : i32
      %broadcast_in_dim3A_1139 = vector.broadcast %broadcast_in_dim3A_1138 : i32 to vector<16xi32>
      %select_n3A_1140 = arith.select %eq3A_1137, %broadcast_in_dim3A_1139, %select_n3A : vector<16xi1>, vector<16xi32>
      %eq3A_1141 = arith.cmpf oeq, %div3A_1127, %max3A_1132 : vector<16xf32>
      %broadcast_in_dim3A_1142 = arith.constant 1 : i32
      %broadcast_in_dim3A_1143 = vector.broadcast %broadcast_in_dim3A_1142 : i32 to vector<16xi32>
      %select_n3A_1144 = arith.select %eq3A_1141, %broadcast_in_dim3A_1143, %select_n3A_1140 : vector<16xi1>, vector<16xi32>
      %eq3A_1145 = arith.cmpf oeq, %div3A_1126, %max3A_1132 : vector<16xf32>
      %broadcast_in_dim3A_1146 = arith.constant 0 : i32
      %broadcast_in_dim3A_1147 = vector.broadcast %broadcast_in_dim3A_1146 : i32 to vector<16xi32>
      %select_n3A_1148 = arith.select %eq3A_1145, %broadcast_in_dim3A_1147, %select_n3A_1144 : vector<16xi1>, vector<16xi32>
      %eq3A_1149 = arith.constant 0 : i32
      %eq3A_1150 = vector.broadcast %eq3A_1149 : i32 to vector<16xi32>
      %eq3A_1151 = arith.cmpi eq, %select_n3A_1148, %eq3A_1150 : vector<16xi32>
      %broadcast_in_dim3A_1152 = arith.constant -1.000000e+00 : f32
      %broadcast_in_dim3A_1153 = vector.broadcast %broadcast_in_dim3A_1152 : f32 to vector<16xf32>
      %select_n3A_1154 = arith.select %eq3A_1151, %broadcast_in_dim3A_1153, %div3A_1126 : vector<16xi1>, vector<16xf32>
      %eq3A_1155 = arith.constant 1 : i32
      %eq3A_1156 = vector.broadcast %eq3A_1155 : i32 to vector<16xi32>
      %eq3A_1157 = arith.cmpi eq, %select_n3A_1148, %eq3A_1156 : vector<16xi32>
      %broadcast_in_dim3A_1158 = arith.constant -1.000000e+00 : f32
      %broadcast_in_dim3A_1159 = vector.broadcast %broadcast_in_dim3A_1158 : f32 to vector<16xf32>
      %select_n3A_1160 = arith.select %eq3A_1157, %broadcast_in_dim3A_1159, %div3A_1127 : vector<16xi1>, vector<16xf32>
      %eq3A_1161 = arith.constant 2 : i32
      %eq3A_1162 = vector.broadcast %eq3A_1161 : i32 to vector<16xi32>
      %eq3A_1163 = arith.cmpi eq, %select_n3A_1148, %eq3A_1162 : vector<16xi32>
      %broadcast_in_dim3A_1164 = arith.constant -1.000000e+00 : f32
      %broadcast_in_dim3A_1165 = vector.broadcast %broadcast_in_dim3A_1164 : f32 to vector<16xf32>
      %select_n3A_1166 = arith.select %eq3A_1163, %broadcast_in_dim3A_1165, %div3A_1128 : vector<16xi1>, vector<16xf32>
      %eq3A_1167 = arith.constant 3 : i32
      %eq3A_1168 = vector.broadcast %eq3A_1167 : i32 to vector<16xi32>
      %eq3A_1169 = arith.cmpi eq, %select_n3A_1148, %eq3A_1168 : vector<16xi32>
      %broadcast_in_dim3A_1170 = arith.constant -1.000000e+00 : f32
      %broadcast_in_dim3A_1171 = vector.broadcast %broadcast_in_dim3A_1170 : f32 to vector<16xf32>
      %select_n3A_1172 = arith.select %eq3A_1169, %broadcast_in_dim3A_1171, %div3A_1129 : vector<16xi1>, vector<16xf32>
      %max3A_1173 = arith.maximumf %select_n3A_1154, %select_n3A_1160 : vector<16xf32>
      %max3A_1174 = arith.maximumf %select_n3A_1166, %select_n3A_1172 : vector<16xf32>
      %max3A_1175 = arith.maximumf %max3A_1173, %max3A_1174 : vector<16xf32>
      %broadcast_in_dim3A_1176 = arith.constant 4 : i32
      %broadcast_in_dim3A_1177 = vector.broadcast %broadcast_in_dim3A_1176 : i32 to vector<16xi32>
      %eq3A_1178 = arith.cmpf oeq, %select_n3A_1172, %max3A_1175 : vector<16xf32>
      %broadcast_in_dim3A_1179 = arith.constant 3 : i32
      %broadcast_in_dim3A_1180 = vector.broadcast %broadcast_in_dim3A_1179 : i32 to vector<16xi32>
      %select_n3A_1181 = arith.select %eq3A_1178, %broadcast_in_dim3A_1180, %broadcast_in_dim3A_1177 : vector<16xi1>, vector<16xi32>
      %eq3A_1182 = arith.cmpf oeq, %select_n3A_1166, %max3A_1175 : vector<16xf32>
      %broadcast_in_dim3A_1183 = arith.constant 2 : i32
      %broadcast_in_dim3A_1184 = vector.broadcast %broadcast_in_dim3A_1183 : i32 to vector<16xi32>
      %select_n3A_1185 = arith.select %eq3A_1182, %broadcast_in_dim3A_1184, %select_n3A_1181 : vector<16xi1>, vector<16xi32>
      %eq3A_1186 = arith.cmpf oeq, %select_n3A_1160, %max3A_1175 : vector<16xf32>
      %broadcast_in_dim3A_1187 = arith.constant 1 : i32
      %broadcast_in_dim3A_1188 = vector.broadcast %broadcast_in_dim3A_1187 : i32 to vector<16xi32>
      %select_n3A_1189 = arith.select %eq3A_1186, %broadcast_in_dim3A_1188, %select_n3A_1185 : vector<16xi1>, vector<16xi32>
      %eq3A_1190 = arith.cmpf oeq, %select_n3A_1154, %max3A_1175 : vector<16xf32>
      %broadcast_in_dim3A_1191 = arith.constant 0 : i32
      %broadcast_in_dim3A_1192 = vector.broadcast %broadcast_in_dim3A_1191 : i32 to vector<16xi32>
      %select_n3A_1193 = arith.select %eq3A_1190, %broadcast_in_dim3A_1192, %select_n3A_1189 : vector<16xi1>, vector<16xi32>
      %eq3A_1194 = arith.constant 0 : i32
      %eq3A_1195 = vector.broadcast %eq3A_1194 : i32 to vector<16xi32>
      %eq3A_1196 = arith.cmpi eq, %select_n3A_1148, %eq3A_1195 : vector<16xi32>
      %eq3A_1197 = arith.constant 0 : i32
      %eq3A_1198 = vector.broadcast %eq3A_1197 : i32 to vector<16xi32>
      %eq3A_1199 = arith.cmpi eq, %select_n3A_1193, %eq3A_1198 : vector<16xi32>
      %or3A = arith.ori %eq3A_1196, %eq3A_1199 : vector<16xi1>
      %broadcast_in_dim3A_1200 = arith.constant 0.000000e+00 : f32
      %broadcast_in_dim3A_1201 = vector.broadcast %broadcast_in_dim3A_1200 : f32 to vector<16xf32>
      %select_n3A_1202 = arith.select %or3A, %div3A_1126, %broadcast_in_dim3A_1201 : vector<16xi1>, vector<16xf32>
      %eq3A_1203 = arith.constant 1 : i32
      %eq3A_1204 = vector.broadcast %eq3A_1203 : i32 to vector<16xi32>
      %eq3A_1205 = arith.cmpi eq, %select_n3A_1148, %eq3A_1204 : vector<16xi32>
      %eq3A_1206 = arith.constant 1 : i32
      %eq3A_1207 = vector.broadcast %eq3A_1206 : i32 to vector<16xi32>
      %eq3A_1208 = arith.cmpi eq, %select_n3A_1193, %eq3A_1207 : vector<16xi32>
      %or3A_1209 = arith.ori %eq3A_1205, %eq3A_1208 : vector<16xi1>
      %broadcast_in_dim3A_1210 = arith.constant 0.000000e+00 : f32
      %broadcast_in_dim3A_1211 = vector.broadcast %broadcast_in_dim3A_1210 : f32 to vector<16xf32>
      %select_n3A_1212 = arith.select %or3A_1209, %div3A_1127, %broadcast_in_dim3A_1211 : vector<16xi1>, vector<16xf32>
      %eq3A_1213 = arith.constant 2 : i32
      %eq3A_1214 = vector.broadcast %eq3A_1213 : i32 to vector<16xi32>
      %eq3A_1215 = arith.cmpi eq, %select_n3A_1148, %eq3A_1214 : vector<16xi32>
      %eq3A_1216 = arith.constant 2 : i32
      %eq3A_1217 = vector.broadcast %eq3A_1216 : i32 to vector<16xi32>
      %eq3A_1218 = arith.cmpi eq, %select_n3A_1193, %eq3A_1217 : vector<16xi32>
      %or3A_1219 = arith.ori %eq3A_1215, %eq3A_1218 : vector<16xi1>
      %broadcast_in_dim3A_1220 = arith.constant 0.000000e+00 : f32
      %broadcast_in_dim3A_1221 = vector.broadcast %broadcast_in_dim3A_1220 : f32 to vector<16xf32>
      %select_n3A_1222 = arith.select %or3A_1219, %div3A_1128, %broadcast_in_dim3A_1221 : vector<16xi1>, vector<16xf32>
      %eq3A_1223 = arith.constant 3 : i32
      %eq3A_1224 = vector.broadcast %eq3A_1223 : i32 to vector<16xi32>
      %eq3A_1225 = arith.cmpi eq, %select_n3A_1148, %eq3A_1224 : vector<16xi32>
      %eq3A_1226 = arith.constant 3 : i32
      %eq3A_1227 = vector.broadcast %eq3A_1226 : i32 to vector<16xi32>
      %eq3A_1228 = arith.cmpi eq, %select_n3A_1193, %eq3A_1227 : vector<16xi32>
      %or3A_1229 = arith.ori %eq3A_1225, %eq3A_1228 : vector<16xi1>
      %broadcast_in_dim3A_1230 = arith.constant 0.000000e+00 : f32
      %broadcast_in_dim3A_1231 = vector.broadcast %broadcast_in_dim3A_1230 : f32 to vector<16xf32>
      %select_n3A_1232 = arith.select %or3A_1229, %div3A_1129, %broadcast_in_dim3A_1231 : vector<16xi1>, vector<16xf32>
      %add3A_1233 = arith.addf %select_n3A_1202, %select_n3A_1212 : vector<16xf32>
      %add3A_1234 = arith.addf %add3A_1233, %select_n3A_1222 : vector<16xf32>
      %add3A_1235 = arith.addf %add3A_1234, %select_n3A_1232 : vector<16xf32>
      %add3A_1236 = arith.constant 9.99999993E-9 : f32
      %add3A_1237 = vector.broadcast %add3A_1236 : f32 to vector<16xf32>
      %add3A_1238 = arith.addf %add3A_1235, %add3A_1237 : vector<16xf32>
      %div3A_1239 = arith.divf %select_n3A_1202, %add3A_1238 : vector<16xf32>
      %div3A_1240 = arith.divf %select_n3A_1212, %add3A_1238 : vector<16xf32>
      %div3A_1241 = arith.divf %select_n3A_1222, %add3A_1238 : vector<16xf32>
      %div3A_1242 = arith.divf %select_n3A_1232, %add3A_1238 : vector<16xf32>
      %mul3A_1243 = arith.mulf %div3A_1239, %div3A_15 : vector<16xf32>
      %mul3A_1244 = arith.mulf %div3A_1240, %div3A_33 : vector<16xf32>
      %add3A_1245 = arith.addf %mul3A_1243, %mul3A_1244 : vector<16xf32>
      %mul3A_1246 = arith.mulf %div3A_1241, %div3A_51 : vector<16xf32>
      %add3A_1247 = arith.addf %add3A_1245, %mul3A_1246 : vector<16xf32>
      %mul3A_1248 = arith.mulf %div3A_1242, %div3A_69 : vector<16xf32>
      %add3A_1249 = arith.addf %add3A_1247, %mul3A_1248 : vector<16xf32>
      %swap3A = arith.constant 0 : i32
      %swap3A_1250 = arith.index_cast %swap3A : i32 to index
      %swap3A_1251 = arith.constant 0 : index
      %swap3A_1252 = tpu.vector_load %arg16[%swap3A_1250, %swap3A_1251] {strides = array<i32>} : memref<11x16xf32, #tpu.memory_space<vmem>>, vector<1x16xf32>,
      %swap3A_1253 = vector.shape_cast %swap3A_1252 : vector<1x16xf32> to vector<16xf32>
      %swap3A_1254 = vector.shape_cast %div3A_15 : vector<16xf32> to vector<1x16xf32>
      tpu.vector_store %arg16[%swap3A_1250, %swap3A_1251], %swap3A_1254 {strides = array<i32>} : memref<11x16xf32, #tpu.memory_space<vmem>>, vector<1x16xf32>,
      %swap3A_1255 = arith.constant 4 : i32
      %swap3A_1256 = arith.index_cast %swap3A_1255 : i32 to index
      %swap3A_1257 = arith.constant 0 : index
      %swap3A_1258 = tpu.vector_load %arg16[%swap3A_1256, %swap3A_1257] {strides = array<i32>} : memref<11x16xf32, #tpu.memory_space<vmem>>, vector<1x16xf32>,
      %swap3A_1259 = vector.shape_cast %swap3A_1258 : vector<1x16xf32> to vector<16xf32>
      %swap3A_1260 = vector.shape_cast %div3A_1239 : vector<16xf32> to vector<1x16xf32>
      tpu.vector_store %arg16[%swap3A_1256, %swap3A_1257], %swap3A_1260 {strides = array<i32>} : memref<11x16xf32, #tpu.memory_space<vmem>>, vector<1x16xf32>,
      %swap3A_1261 = arith.constant 1 : i32
      %swap3A_1262 = arith.index_cast %swap3A_1261 : i32 to index
      %swap3A_1263 = arith.constant 0 : index
      %swap3A_1264 = tpu.vector_load %arg16[%swap3A_1262, %swap3A_1263] {strides = array<i32>} : memref<11x16xf32, #tpu.memory_space<vmem>>, vector<1x16xf32>,
      %swap3A_1265 = vector.shape_cast %swap3A_1264 : vector<1x16xf32> to vector<16xf32>
      %swap3A_1266 = vector.shape_cast %div3A_33 : vector<16xf32> to vector<1x16xf32>
      tpu.vector_store %arg16[%swap3A_1262, %swap3A_1263], %swap3A_1266 {strides = array<i32>} : memref<11x16xf32, #tpu.memory_space<vmem>>, vector<1x16xf32>,
      %swap3A_1267 = arith.constant 5 : i32
      %swap3A_1268 = arith.index_cast %swap3A_1267 : i32 to index
      %swap3A_1269 = arith.constant 0 : index
      %swap3A_1270 = tpu.vector_load %arg16[%swap3A_1268, %swap3A_1269] {strides = array<i32>} : memref<11x16xf32, #tpu.memory_space<vmem>>, vector<1x16xf32>,
      %swap3A_1271 = vector.shape_cast %swap3A_1270 : vector<1x16xf32> to vector<16xf32>
      %swap3A_1272 = vector.shape_cast %div3A_1240 : vector<16xf32> to vector<1x16xf32>
      tpu.vector_store %arg16[%swap3A_1268, %swap3A_1269], %swap3A_1272 {strides = array<i32>} : memref<11x16xf32, #tpu.memory_space<vmem>>, vector<1x16xf32>,
      %swap3A_1273 = arith.constant 2 : i32
      %swap3A_1274 = arith.index_cast %swap3A_1273 : i32 to index
      %swap3A_1275 = arith.constant 0 : index
      %swap3A_1276 = tpu.vector_load %arg16[%swap3A_1274, %swap3A_1275] {strides = array<i32>} : memref<11x16xf32, #tpu.memory_space<vmem>>, vector<1x16xf32>,
      %swap3A_1277 = vector.shape_cast %swap3A_1276 : vector<1x16xf32> to vector<16xf32>
      %swap3A_1278 = vector.shape_cast %div3A_51 : vector<16xf32> to vector<1x16xf32>
      tpu.vector_store %arg16[%swap3A_1274, %swap3A_1275], %swap3A_1278 {strides = array<i32>} : memref<11x16xf32, #tpu.memory_space<vmem>>, vector<1x16xf32>,
      %swap3A_1279 = arith.constant 6 : i32
      %swap3A_1280 = arith.index_cast %swap3A_1279 : i32 to index
      %swap3A_1281 = arith.constant 0 : index
      %swap3A_1282 = tpu.vector_load %arg16[%swap3A_1280, %swap3A_1281] {strides = array<i32>} : memref<11x16xf32, #tpu.memory_space<vmem>>, vector<1x16xf32>,
      %swap3A_1283 = vector.shape_cast %swap3A_1282 : vector<1x16xf32> to vector<16xf32>
      %swap3A_1284 = vector.shape_cast %div3A_1241 : vector<16xf32> to vector<1x16xf32>
      tpu.vector_store %arg16[%swap3A_1280, %swap3A_1281], %swap3A_1284 {strides = array<i32>} : memref<11x16xf32, #tpu.memory_space<vmem>>, vector<1x16xf32>,
      %swap3A_1285 = arith.constant 3 : i32
      %swap3A_1286 = arith.index_cast %swap3A_1285 : i32 to index
      %swap3A_1287 = arith.constant 0 : index
      %swap3A_1288 = tpu.vector_load %arg16[%swap3A_1286, %swap3A_1287] {strides = array<i32>} : memref<11x16xf32, #tpu.memory_space<vmem>>, vector<1x16xf32>,
      %swap3A_1289 = vector.shape_cast %swap3A_1288 : vector<1x16xf32> to vector<16xf32>
      %swap3A_1290 = vector.shape_cast %div3A_69 : vector<16xf32> to vector<1x16xf32>
      tpu.vector_store %arg16[%swap3A_1286, %swap3A_1287], %swap3A_1290 {strides = array<i32>} : memref<11x16xf32, #tpu.memory_space<vmem>>, vector<1x16xf32>,
      %swap3A_1291 = arith.constant 7 : i32
      %swap3A_1292 = arith.index_cast %swap3A_1291 : i32 to index
      %swap3A_1293 = arith.constant 0 : index
      %swap3A_1294 = tpu.vector_load %arg16[%swap3A_1292, %swap3A_1293] {strides = array<i32>} : memref<11x16xf32, #tpu.memory_space<vmem>>, vector<1x16xf32>,
      %swap3A_1295 = vector.shape_cast %swap3A_1294 : vector<1x16xf32> to vector<16xf32>
      %swap3A_1296 = vector.shape_cast %div3A_1242 : vector<16xf32> to vector<1x16xf32>
      tpu.vector_store %arg16[%swap3A_1292, %swap3A_1293], %swap3A_1296 {strides = array<i32>} : memref<11x16xf32, #tpu.memory_space<vmem>>, vector<1x16xf32>,
      %bitcast_convert_type3A = tpu.bitcast %select_n3A_1148 : vector<16xi32> -> vector<16xf32>
      %swap3A_1297 = arith.constant 8 : i32
      %swap3A_1298 = arith.index_cast %swap3A_1297 : i32 to index
      %swap3A_1299 = arith.constant 0 : index
      %swap3A_1300 = tpu.vector_load %arg16[%swap3A_1298, %swap3A_1299] {strides = array<i32>} : memref<11x16xf32, #tpu.memory_space<vmem>>, vector<1x16xf32>,
      %swap3A_1301 = vector.shape_cast %swap3A_1300 : vector<1x16xf32> to vector<16xf32>
      %swap3A_1302 = vector.shape_cast %bitcast_convert_type3A : vector<16xf32> to vector<1x16xf32>
      tpu.vector_store %arg16[%swap3A_1298, %swap3A_1299], %swap3A_1302 {strides = array<i32>} : memref<11x16xf32, #tpu.memory_space<vmem>>, vector<1x16xf32>,
      %bitcast_convert_type3A_1303 = tpu.bitcast %select_n3A_1193 : vector<16xi32> -> vector<16xf32>
      %swap3A_1304 = arith.constant 9 : i32
      %swap3A_1305 = arith.index_cast %swap3A_1304 : i32 to index
      %swap3A_1306 = arith.constant 0 : index
      %swap3A_1307 = tpu.vector_load %arg16[%swap3A_1305, %swap3A_1306] {strides = array<i32>} : memref<11x16xf32, #tpu.memory_space<vmem>>, vector<1x16xf32>,
      %swap3A_1308 = vector.shape_cast %swap3A_1307 : vector<1x16xf32> to vector<16xf32>
      %swap3A_1309 = vector.shape_cast %bitcast_convert_type3A_1303 : vector<16xf32> to vector<1x16xf32>
      tpu.vector_store %arg16[%swap3A_1305, %swap3A_1306], %swap3A_1309 {strides = array<i32>} : memref<11x16xf32, #tpu.memory_space<vmem>>, vector<1x16xf32>,
      %swap3A_1310 = arith.constant 10 : i32
      %swap3A_1311 = arith.index_cast %swap3A_1310 : i32 to index
      %swap3A_1312 = arith.constant 0 : index
      %swap3A_1313 = tpu.vector_load %arg16[%swap3A_1311, %swap3A_1312] {strides = array<i32>} : memref<11x16xf32, #tpu.memory_space<vmem>>, vector<1x16xf32>,
      %swap3A_1314 = vector.shape_cast %swap3A_1313 : vector<1x16xf32> to vector<16xf32>
      %swap3A_1315 = vector.shape_cast %add3A_1249 : vector<16xf32> to vector<1x16xf32>
      tpu.vector_store %arg16[%swap3A_1311, %swap3A_1312], %swap3A_1315 {strides = array<i32>} : memref<11x16xf32, #tpu.memory_space<vmem>>, vector<1x16xf32>,
      %dma_start3A = arith.constant 0 : i32
      %dma_start3A_1316 = arith.constant 0 : i32
      %dma_start3A_1317 = tpu.memref_slice %arg16[%dma_start3A, %dma_start3A_1316] : memref<11x16xf32, #tpu.memory_space<vmem>> -> memref<4x16xf32, #tpu.memory_space<vmem>>
      %dma_start3A_1318 = arith.constant 0 : i32
      %dma_start3A_1319 = arith.constant 0 : i32
      %dma_start3A_1320 = tpu.memref_slice %arg16[%dma_start3A_1318, %dma_start3A_1319] : memref<11x16xf32, #tpu.memory_space<vmem>> -> memref<4x16xf32, #tpu.memory_space<vmem>>
      tpu.enqueue_dma source(%dma_start3A_1320 : memref<4x16xf32, #tpu.memory_space<vmem>>) target(%arg7 : memref<4x16xf32, #tpu.memory_space<hbm>>) target_semaphore(%arg18 : memref<!tpu.dma_semaphore, #tpu.memory_space<semaphore_mem>>)
      %dma_start3A_1321 = arith.constant 4 : i32
      %dma_start3A_1322 = arith.constant 0 : i32
      %dma_start3A_1323 = tpu.memref_slice %arg16[%dma_start3A_1321, %dma_start3A_1322] : memref<11x16xf32, #tpu.memory_space<vmem>> -> memref<4x16xf32, #tpu.memory_space<vmem>>
      %dma_start3A_1324 = arith.constant 4 : i32
      %dma_start3A_1325 = arith.constant 0 : i32
      %dma_start3A_1326 = tpu.memref_slice %arg16[%dma_start3A_1324, %dma_start3A_1325] : memref<11x16xf32, #tpu.memory_space<vmem>> -> memref<4x16xf32, #tpu.memory_space<vmem>>
      tpu.enqueue_dma source(%dma_start3A_1326 : memref<4x16xf32, #tpu.memory_space<vmem>>) target(%arg8 : memref<4x16xf32, #tpu.memory_space<hbm>>) target_semaphore(%arg18 : memref<!tpu.dma_semaphore, #tpu.memory_space<semaphore_mem>>)
      %dma_start3A_1327 = arith.constant 8 : i32
      %dma_start3A_1328 = arith.constant 0 : i32
      %dma_start3A_1329 = tpu.memref_slice %arg16[%dma_start3A_1327, %dma_start3A_1328] : memref<11x16xf32, #tpu.memory_space<vmem>> -> memref<2x16xf32, #tpu.memory_space<vmem>>
      %dma_start3A_1330 = arith.constant 8 : i32
      %dma_start3A_1331 = arith.constant 0 : i32
      %dma_start3A_1332 = tpu.memref_slice %arg16[%dma_start3A_1330, %dma_start3A_1331] : memref<11x16xf32, #tpu.memory_space<vmem>> -> memref<2x16xf32, #tpu.memory_space<vmem>>
      tpu.enqueue_dma source(%dma_start3A_1332 : memref<2x16xf32, #tpu.memory_space<vmem>>) target(%arg9 : memref<2x16xf32, #tpu.memory_space<hbm>>) target_semaphore(%arg18 : memref<!tpu.dma_semaphore, #tpu.memory_space<semaphore_mem>>)
      %dma_start3A_1333 = arith.constant 10 : i32
      %dma_start3A_1334 = arith.constant 0 : i32
      %dma_start3A_1335 = tpu.memref_slice %arg16[%dma_start3A_1333, %dma_start3A_1334] : memref<11x16xf32, #tpu.memory_space<vmem>> -> memref<1x16xf32, #tpu.memory_space<vmem>>
      %dma_start3A_1336 = arith.constant 10 : i32
      %dma_start3A_1337 = arith.constant 0 : i32
      %dma_start3A_1338 = tpu.memref_slice %arg16[%dma_start3A_1336, %dma_start3A_1337] : memref<11x16xf32, #tpu.memory_space<vmem>> -> memref<1x16xf32, #tpu.memory_space<vmem>>
      tpu.enqueue_dma source(%dma_start3A_1338 : memref<1x16xf32, #tpu.memory_space<vmem>>) target(%arg10 : memref<1x16xf32, #tpu.memory_space<hbm>>) target_semaphore(%arg18 : memref<!tpu.dma_semaphore, #tpu.memory_space<semaphore_mem>>)
      %dma_wait3A = arith.constant 0 : i32
      %dma_wait3A_1339 = arith.constant 0 : i32
      %dma_wait3A_1340 = tpu.memref_slice %arg16[%dma_wait3A, %dma_wait3A_1339] : memref<11x16xf32, #tpu.memory_space<vmem>> -> memref<4x16xf32, #tpu.memory_space<vmem>>
      %dma_wait3A_1341 = arith.constant 0 : i32
      %dma_wait3A_1342 = arith.constant 0 : i32
      %dma_wait3A_1343 = tpu.memref_slice %arg16[%dma_wait3A_1341, %dma_wait3A_1342] : memref<11x16xf32, #tpu.memory_space<vmem>> -> memref<4x16xf32, #tpu.memory_space<vmem>>
      tpu.wait_dma2 semaphore(%arg18 : memref<!tpu.dma_semaphore, #tpu.memory_space<semaphore_mem>>) src(%dma_wait3A_1343 : memref<4x16xf32, #tpu.memory_space<vmem>>) dst(%arg7 : memref<4x16xf32, #tpu.memory_space<hbm>>)
      %dma_wait3A_1344 = arith.constant 4 : i32
      %dma_wait3A_1345 = arith.constant 0 : i32
      %dma_wait3A_1346 = tpu.memref_slice %arg16[%dma_wait3A_1344, %dma_wait3A_1345] : memref<11x16xf32, #tpu.memory_space<vmem>> -> memref<4x16xf32, #tpu.memory_space<vmem>>
      %dma_wait3A_1347 = arith.constant 4 : i32
      %dma_wait3A_1348 = arith.constant 0 : i32
      %dma_wait3A_1349 = tpu.memref_slice %arg16[%dma_wait3A_1347, %dma_wait3A_1348] : memref<11x16xf32, #tpu.memory_space<vmem>> -> memref<4x16xf32, #tpu.memory_space<vmem>>
      tpu.wait_dma2 semaphore(%arg18 : memref<!tpu.dma_semaphore, #tpu.memory_space<semaphore_mem>>) src(%dma_wait3A_1349 : memref<4x16xf32, #tpu.memory_space<vmem>>) dst(%arg8 : memref<4x16xf32, #tpu.memory_space<hbm>>)
      %dma_wait3A_1350 = arith.constant 8 : i32
      %dma_wait3A_1351 = arith.constant 0 : i32
      %dma_wait3A_1352 = tpu.memref_slice %arg16[%dma_wait3A_1350, %dma_wait3A_1351] : memref<11x16xf32, #tpu.memory_space<vmem>> -> memref<2x16xf32, #tpu.memory_space<vmem>>
      %dma_wait3A_1353 = arith.constant 8 : i32
      %dma_wait3A_1354 = arith.constant 0 : i32
      %dma_wait3A_1355 = tpu.memref_slice %arg16[%dma_wait3A_1353, %dma_wait3A_1354] : memref<11x16xf32, #tpu.memory_space<vmem>> -> memref<2x16xf32, #tpu.memory_space<vmem>>
      tpu.wait_dma2 semaphore(%arg18 : memref<!tpu.dma_semaphore, #tpu.memory_space<semaphore_mem>>) src(%dma_wait3A_1355 : memref<2x16xf32, #tpu.memory_space<vmem>>) dst(%arg9 : memref<2x16xf32, #tpu.memory_space<hbm>>)
      %dma_wait3A_1356 = arith.constant 10 : i32
      %dma_wait3A_1357 = arith.constant 0 : i32
      %dma_wait3A_1358 = tpu.memref_slice %arg16[%dma_wait3A_1356, %dma_wait3A_1357] : memref<11x16xf32, #tpu.memory_space<vmem>> -> memref<1x16xf32, #tpu.memory_space<vmem>>
      %dma_wait3A_1359 = arith.constant 10 : i32
      %dma_wait3A_1360 = arith.constant 0 : i32
      %dma_wait3A_1361 = tpu.memref_slice %arg16[%dma_wait3A_1359, %dma_wait3A_1360] : memref<11x16xf32, #tpu.memory_space<vmem>> -> memref<1x16xf32, #tpu.memory_space<vmem>>
      tpu.wait_dma2 semaphore(%arg18 : memref<!tpu.dma_semaphore, #tpu.memory_space<semaphore_mem>>) src(%dma_wait3A_1361 : memref<1x16xf32, #tpu.memory_space<vmem>>) dst(%arg10 : memref<1x16xf32, #tpu.memory_space<hbm>>)
    } else {
    }
    return
  }
}

module attributes {stable_mosaic.version = 14 : i64} {
  func.func @_pool_body(%arg0: i32, %arg1: memref<2688x224xf32, #tpu.memory_space<vmem>>, %arg2: memref<168x14xf32, #tpu.memory_space<vmem>>) attributes {dimension_semantics = [#tpu.dimension_semantics<arbitrary>], iteration_bounds = array<i64: 4>, scalar_prefetch = 0 : i64, scratch_operands = 0 : i64, tpu.core_type = #tpu.core_type<tc>, window_params = [{transform_indices = @transform_0, window_bounds = array<i64: 2688, 224>}, {transform_indices = @transform_1, window_bounds = array<i64: 168, 14>}]} {
    %get3A = arith.constant 0 : index
    %get3A_0 = arith.constant 0 : index
    %get3A_1 = vector.load %arg1[%get3A, %get3A_0] : memref<2688x224xf32, #tpu.memory_space<vmem>>, vector<2688x224xf32>
    %reshape3A = vector.shape_cast %get3A_1 : vector<2688x224xf32> to vector<168x16x224xf32>
    %reduce_sum3A = arith.constant dense<0.000000e+00> : vector<168x224xf32>
    %reduce_sum3A_2 = vector.multi_reduction <add>, %reshape3A, %reduce_sum3A [1] : vector<168x16x224xf32> to vector<168x224xf32>
    %iota3A = tpu.iota {dimensions = array<i32: 0>} : vector<224x14xi32>
    %iota3A_3 = tpu.iota {dimensions = array<i32: 1>} : vector<224x14xi32>
    %jit3A = arith.constant 16 : i32
    %div3A = vector.broadcast %jit3A : i32 to vector<224x14xi32>
    %div3A_4 = arith.divsi %iota3A, %div3A : vector<224x14xi32>
    %sign3A = arith.constant 0 : i32
    %sign3A_5 = vector.broadcast %sign3A : i32 to vector<224x14xi32>
    %sign3A_6 = arith.cmpi sgt, %iota3A, %sign3A_5 : vector<224x14xi32>
    %sign3A_7 = arith.extui %sign3A_6 : vector<224x14xi1> to vector<224x14xi32>
    %sign3A_8 = arith.constant 0 : i32
    %sign3A_9 = vector.broadcast %sign3A_8 : i32 to vector<224x14xi32>
    %sign3A_10 = arith.cmpi slt, %iota3A, %sign3A_9 : vector<224x14xi32>
    %sign3A_11 = arith.extui %sign3A_10 : vector<224x14xi1> to vector<224x14xi32>
    %sign3A_12 = arith.subi %sign3A_7, %sign3A_11 : vector<224x14xi32>
    %sign3A_13 = arith.constant 0 : i32
    %sign3A_14 = arith.cmpi sgt, %jit3A, %sign3A_13 : i32
    %sign3A_15 = arith.extui %sign3A_14 : i1 to i32
    %sign3A_16 = arith.constant 0 : i32
    %sign3A_17 = arith.cmpi slt, %jit3A, %sign3A_16 : i32
    %sign3A_18 = arith.extui %sign3A_17 : i1 to i32
    %sign3A_19 = arith.subi %sign3A_15, %sign3A_18 : i32
    %ne3A = vector.broadcast %sign3A_19 : i32 to vector<224x14xi32>
    %ne3A_20 = arith.cmpi ne, %sign3A_12, %ne3A : vector<224x14xi32>
    %rem3A = vector.broadcast %jit3A : i32 to vector<224x14xi32>
    %rem3A_21 = arith.remsi %iota3A, %rem3A : vector<224x14xi32>
    %ne3A_22 = arith.constant 0 : i32
    %ne3A_23 = vector.broadcast %ne3A_22 : i32 to vector<224x14xi32>
    %ne3A_24 = arith.cmpi ne, %rem3A_21, %ne3A_23 : vector<224x14xi32>
    %and3A = arith.andi %ne3A_20, %ne3A_24 : vector<224x14xi1>
    %sub3A = arith.constant 1 : i32
    %sub3A_25 = vector.broadcast %sub3A : i32 to vector<224x14xi32>
    %sub3A_26 = arith.subi %div3A_4, %sub3A_25 : vector<224x14xi32>
    %select_n3A = arith.select %and3A, %sub3A_26, %div3A_4 : vector<224x14xi1>, vector<224x14xi32>
    %eq3A = arith.cmpi eq, %select_n3A, %iota3A_3 : vector<224x14xi32>
    %jit3A_27 = arith.constant 3.906250e-03 : f32
    %jit3A_28 = arith.constant 0.000000e+00 : f32
    %broadcast_in_dim3A = vector.broadcast %jit3A_27 : f32 to vector<224x14xf32>
    %broadcast_in_dim3A_29 = vector.broadcast %jit3A_28 : f32 to vector<224x14xf32>
    %select_n3A_30 = arith.select %eq3A, %broadcast_in_dim3A, %broadcast_in_dim3A_29 : vector<224x14xi1>, vector<224x14xf32>
    %dot_general3A = arith.constant dense<0.000000e+00> : vector<168x14xf32>
    %dot_general3A_31 = tpu.matmul %reduce_sum3A_2, %select_n3A_30, %dot_general3A {dimension_numbers = #tpu.dot_dimension_numbers<[1], [0], [0], [1], [0, 0, 1, 1], [], []>, transpose_lhs_hint = false} : vector<168x224xf32>, vector<224x14xf32>, vector<168x14xf32> -> vector<168x14xf32>
    %swap3A = arith.constant 0 : index
    %swap3A_32 = arith.constant 0 : index
    %swap3A_33 = vector.load %arg2[%swap3A, %swap3A_32] : memref<168x14xf32, #tpu.memory_space<vmem>>, vector<168x14xf32>
    tpu.vector_store %arg2[%swap3A, %swap3A_32], %dot_general3A_31 {strides = array<i32>} : memref<168x14xf32, #tpu.memory_space<vmem>>, vector<168x14xf32>,
    return
  }
  func.func @transform_0(%arg0: i32) -> (i32, i32) {
    %c0_i32 = arith.constant 0 : i32
    %c0_i32_0 = arith.constant 0 : i32
    return %arg0, %c0_i32 : i32, i32
  }
  func.func @transform_1(%arg0: i32) -> (i32, i32) {
    %c0_i32 = arith.constant 0 : i32
    %c0_i32_0 = arith.constant 0 : i32
    return %arg0, %c0_i32 : i32, i32
  }
}

module attributes {stable_mosaic.version = 14 : i64} {
  func.func @_expert_body(%arg0: i32, %arg1: i32, %arg2: memref<16x588xf32, #tpu.memory_space<vmem>>, %arg3: memref<1x588x2304xf32, #tpu.memory_space<vmem>>, %arg4: memref<4x9200xf32, #tpu.memory_space<vmem>>, %arg5: memref<64x9216xf32, #tpu.memory_space<vmem>>, %arg6: memref<8x16xf32, #tpu.memory_space<vmem>>) attributes {dimension_semantics = [#tpu.dimension_semantics<arbitrary>, #tpu.dimension_semantics<arbitrary>], iteration_bounds = array<i64: 4, 4>, scalar_prefetch = 0 : i64, scratch_operands = 0 : i64, tpu.core_type = #tpu.core_type<tc>, window_params = [{pipeline_mode = #tpu.pipeline_mode<synchronous>, transform_indices = @transform_0, window_bounds = array<i64: 16, 588>}, {transform_indices = @transform_1, window_bounds = array<i64: 1, 588, 2304>}, {pipeline_mode = #tpu.pipeline_mode<synchronous>, transform_indices = @transform_2, window_bounds = array<i64: 4, 9200>}, {pipeline_mode = #tpu.pipeline_mode<synchronous>, transform_indices = @transform_3, window_bounds = array<i64: 64, 9216>}, {pipeline_mode = #tpu.pipeline_mode<synchronous>, transform_indices = @transform_4, window_bounds = array<i64: 8, 16>}]} {
    %get3A = arith.constant 0 : index
    %get3A_0 = arith.constant 0 : index
    %get3A_1 = vector.load %arg2[%get3A, %get3A_0] : memref<16x588xf32, #tpu.memory_space<vmem>>, vector<16x588xf32>
    %get3A_2 = arith.constant 0 : index
    %get3A_3 = arith.constant 0 : index
    %get3A_4 = arith.constant 0 : index
    %get3A_5 = vector.load %arg3[%get3A_2, %get3A_3, %get3A_4] : memref<1x588x2304xf32, #tpu.memory_space<vmem>>, vector<1x588x2304xf32>
    %get3A_6 = vector.shape_cast %get3A_5 : vector<1x588x2304xf32> to vector<588x2304xf32>
    %dot_general3A = arith.constant dense<0.000000e+00> : vector<16x2304xf32>
    %dot_general3A_7 = tpu.matmul %get3A_1, %get3A_6, %dot_general3A {dimension_numbers = #tpu.dot_dimension_numbers<[1], [0], [0], [1], [0, 0, 1, 1], [], []>, transpose_lhs_hint = false} : vector<16x588xf32>, vector<588x2304xf32>, vector<16x2304xf32> -> vector<16x2304xf32>
    %mul3A = arith.constant 16 : i32
    %mul3A_8 = arith.muli %arg0, %mul3A : i32
    %mul3A_9 = arith.constant 2304 : i32
    %mul3A_10 = arith.muli %arg1, %mul3A_9 : i32
    %swap3A = arith.index_cast %mul3A_8 : i32 to index
    %swap3A_11 = arith.index_cast %mul3A_10 : i32 to index
    %swap3A_12 = vector.load %arg5[%swap3A, %swap3A_11] : memref<64x9216xf32, #tpu.memory_space<vmem>>, vector<16x2304xf32>
    tpu.vector_store %arg5[%swap3A, %swap3A_11], %dot_general3A_7 {strides = array<i32>} : memref<64x9216xf32, #tpu.memory_space<vmem>>, vector<16x2304xf32>,
    %iota3A = tpu.iota {dimensions = array<i32: 1>} : vector<1x2304xi32>
    %mul3A_13 = arith.constant 2304 : i32
    %mul3A_14 = arith.muli %arg1, %mul3A_13 : i32
    %add3A = vector.broadcast %mul3A_14 : i32 to vector<1x2304xi32>
    %add3A_15 = arith.addi %iota3A, %add3A : vector<1x2304xi32>
    %jit3A = arith.constant 92 : i32
    %eq3A = arith.constant 0 : i32
    %eq3A_16 = arith.cmpi eq, %jit3A, %eq3A : i32
    %jit3A_17 = arith.constant 1 : i32
    %select_n3A = arith.select %eq3A_16, %jit3A_17, %jit3A : i32
    %rem3A = vector.broadcast %select_n3A : i32 to vector<1x2304xi32>
    %rem3A_18 = arith.remsi %add3A_15, %rem3A : vector<1x2304xi32>
    %ne3A = arith.constant 0 : i32
    %ne3A_19 = vector.broadcast %ne3A : i32 to vector<1x2304xi32>
    %ne3A_20 = arith.cmpi ne, %rem3A_18, %ne3A_19 : vector<1x2304xi32>
    %lt3A = arith.constant 0 : i32
    %lt3A_21 = vector.broadcast %lt3A : i32 to vector<1x2304xi32>
    %lt3A_22 = arith.cmpi slt, %rem3A_18, %lt3A_21 : vector<1x2304xi32>
    %lt3A_23 = arith.constant 0 : i32
    %lt3A_24 = arith.cmpi slt, %select_n3A, %lt3A_23 : i32
    %ne3A_25 = vector.broadcast %lt3A_24 : i1 to vector<1x2304xi1>
    %ne3A_26 = vector.broadcast %ne3A_25 : vector<1x2304xi1> to vector<1x2304xi1>
    %ne3A_27 = arith.xori %lt3A_22, %ne3A_26 : vector<1x2304xi1>
    %and3A = arith.andi %ne3A_27, %ne3A_20 : vector<1x2304xi1>
    %add3A_28 = vector.broadcast %select_n3A : i32 to vector<1x2304xi32>
    %add3A_29 = arith.addi %rem3A_18, %add3A_28 : vector<1x2304xi32>
    %select_n3A_30 = arith.select %and3A, %add3A_29, %rem3A_18 : vector<1x2304xi1>, vector<1x2304xi32>
    %eq3A_31 = arith.constant 0 : i32
    %eq3A_32 = vector.broadcast %eq3A_31 : i32 to vector<1x2304xi32>
    %eq3A_33 = arith.cmpi eq, %select_n3A_30, %eq3A_32 : vector<1x2304xi32>
    %lt3A_34 = arith.constant 9200 : i32
    %lt3A_35 = vector.broadcast %lt3A_34 : i32 to vector<1x2304xi32>
    %lt3A_36 = arith.cmpi slt, %add3A_15, %lt3A_35 : vector<1x2304xi32>
    %and3A_37 = arith.andi %eq3A_33, %lt3A_36 : vector<1x2304xi1>
    %jit3A_38 = arith.constant 1.000000e+00 : f32
    %jit3A_39 = arith.constant 0.000000e+00 : f32
    %broadcast_in_dim3A = vector.broadcast %jit3A_38 : f32 to vector<1x2304xf32>
    %broadcast_in_dim3A_40 = vector.broadcast %jit3A_39 : f32 to vector<1x2304xf32>
    %select_n3A_41 = arith.select %and3A_37, %broadcast_in_dim3A, %broadcast_in_dim3A_40 : vector<1x2304xi1>, vector<1x2304xf32>
    %dot_general3A_42 = arith.constant dense<0.000000e+00> : vector<1x16xf32>
    %dot_general3A_43 = tpu.matmul %select_n3A_41, %dot_general3A_7, %dot_general3A_42 {dimension_numbers = #tpu.dot_dimension_numbers<[1], [1], [0], [0], [0, 0, 1, 0], [], []>, transpose_lhs_hint = false} : vector<1x2304xf32>, vector<16x2304xf32>, vector<1x16xf32> -> vector<1x16xf32>
    %iota3A_44 = tpu.iota {dimensions = array<i32: 0>} : vector<8x16xi32>
    %eq3A_45 = vector.broadcast %arg0 : i32 to vector<8x16xi32>
    %eq3A_46 = arith.cmpi eq, %iota3A_44, %eq3A_45 : vector<8x16xi32>
    %jit3A_47 = arith.constant 0.000000e+00 : f32
    %broadcast_in_dim3A_48 = vector.shape_cast %dot_general3A_43 : vector<1x16xf32> to vector<1x16xf32>
    %broadcast_in_dim3A_49 = vector.broadcast %broadcast_in_dim3A_48 : vector<1x16xf32> to vector<8x16xf32>
    %broadcast_in_dim3A_50 = vector.broadcast %jit3A_47 : f32 to vector<8x16xf32>
    %select_n3A_51 = arith.select %eq3A_46, %broadcast_in_dim3A_49, %broadcast_in_dim3A_50 : vector<8x16xi1>, vector<8x16xf32>
    %eq3A_52 = arith.constant 0 : i32
    %eq3A_53 = arith.cmpi eq, %arg0, %eq3A_52 : i32
    %eq3A_54 = arith.constant 0 : i32
    %eq3A_55 = arith.cmpi eq, %arg1, %eq3A_54 : i32
    %and3A_56 = arith.andi %eq3A_53, %eq3A_55 : i1
    %convert_element_type3A = arith.extui %and3A_56 : i1 to i32
    %cond3A = arith.constant 0 : i32
    %cond3A_57 = arith.cmpi ne, %convert_element_type3A, %cond3A : i32
    scf.if %cond3A_57 {
      %get3A_64 = arith.constant 0 : index
      %get3A_65 = arith.constant 0 : index
      %get3A_66 = vector.load %arg4[%get3A_64, %get3A_65] : memref<4x9200xf32, #tpu.memory_space<vmem>>, vector<4x9200xf32>
      %iota3A_67 = tpu.iota {dimensions = array<i32: 1>} : vector<1x9200xi32>
      %jit3A_68 = arith.constant 92 : i32
      %eq3A_69 = arith.constant 0 : i32
      %eq3A_70 = arith.cmpi eq, %jit3A_68, %eq3A_69 : i32
      %jit3A_71 = arith.constant 1 : i32
      %select_n3A_72 = arith.select %eq3A_70, %jit3A_71, %jit3A_68 : i32
      %rem3A_73 = vector.broadcast %select_n3A_72 : i32 to vector<1x9200xi32>
      %rem3A_74 = arith.remsi %iota3A_67, %rem3A_73 : vector<1x9200xi32>
      %ne3A_75 = arith.constant 0 : i32
      %ne3A_76 = vector.broadcast %ne3A_75 : i32 to vector<1x9200xi32>
      %ne3A_77 = arith.cmpi ne, %rem3A_74, %ne3A_76 : vector<1x9200xi32>
      %lt3A_78 = arith.constant 0 : i32
      %lt3A_79 = vector.broadcast %lt3A_78 : i32 to vector<1x9200xi32>
      %lt3A_80 = arith.cmpi slt, %rem3A_74, %lt3A_79 : vector<1x9200xi32>
      %lt3A_81 = arith.constant 0 : i32
      %lt3A_82 = arith.cmpi slt, %select_n3A_72, %lt3A_81 : i32
      %ne3A_83 = vector.broadcast %lt3A_82 : i1 to vector<1x9200xi1>
      %ne3A_84 = vector.broadcast %ne3A_83 : vector<1x9200xi1> to vector<1x9200xi1>
      %ne3A_85 = arith.xori %lt3A_80, %ne3A_84 : vector<1x9200xi1>
      %and3A_86 = arith.andi %ne3A_85, %ne3A_77 : vector<1x9200xi1>
      %add3A_87 = vector.broadcast %select_n3A_72 : i32 to vector<1x9200xi32>
      %add3A_88 = arith.addi %rem3A_74, %add3A_87 : vector<1x9200xi32>
      %select_n3A_89 = arith.select %and3A_86, %add3A_88, %rem3A_74 : vector<1x9200xi1>, vector<1x9200xi32>
      %eq3A_90 = arith.constant 0 : i32
      %eq3A_91 = vector.broadcast %eq3A_90 : i32 to vector<1x9200xi32>
      %eq3A_92 = arith.cmpi eq, %select_n3A_89, %eq3A_91 : vector<1x9200xi32>
      %jit3A_93 = arith.constant 1.000000e+00 : f32
      %jit3A_94 = arith.constant 0.000000e+00 : f32
      %broadcast_in_dim3A_95 = vector.broadcast %jit3A_93 : f32 to vector<1x9200xf32>
      %broadcast_in_dim3A_96 = vector.broadcast %jit3A_94 : f32 to vector<1x9200xf32>
      %select_n3A_97 = arith.select %eq3A_92, %broadcast_in_dim3A_95, %broadcast_in_dim3A_96 : vector<1x9200xi1>, vector<1x9200xf32>
      %dot_general3A_98 = arith.constant dense<0.000000e+00> : vector<4x1xf32>
      %dot_general3A_99 = tpu.matmul %get3A_66, %select_n3A_97, %dot_general3A_98 {dimension_numbers = #tpu.dot_dimension_numbers<[1], [1], [0], [0], [0, 0, 1, 0], [], []>, transpose_lhs_hint = false} : vector<4x9200xf32>, vector<1x9200xf32>, vector<4x1xf32> -> vector<4x1xf32>
      %broadcast_in_dim3A_100 = arith.constant 1.000000e+00 : f32
      %broadcast_in_dim3A_101 = vector.broadcast %broadcast_in_dim3A_100 : f32 to vector<1x16xf32>
      %mul3A_102 = vector.broadcast %dot_general3A_99 : vector<4x1xf32> to vector<4x16xf32>
      %mul3A_103 = vector.broadcast %broadcast_in_dim3A_101 : vector<1x16xf32> to vector<4x16xf32>
      %mul3A_104 = arith.mulf %mul3A_102, %mul3A_103 : vector<4x16xf32>
      %broadcast_in_dim3A_105 = arith.constant 0.000000e+00 : f32
      %broadcast_in_dim3A_106 = vector.broadcast %broadcast_in_dim3A_105 : f32 to vector<4x16xf32>
      %concatenate3A = tpu.concatenate %mul3A_104, %broadcast_in_dim3A_106 in 0 : vector<4x16xf32>, vector<4x16xf32> -> vector<8x16xf32>
      %add3A_107 = arith.addf %select_n3A_51, %concatenate3A : vector<8x16xf32>
      %swap3A_108 = arith.constant 0 : index
      %swap3A_109 = arith.constant 0 : index
      %swap3A_110 = vector.load %arg6[%swap3A_108, %swap3A_109] : memref<8x16xf32, #tpu.memory_space<vmem>>, vector<8x16xf32>
      tpu.vector_store %arg6[%swap3A_108, %swap3A_109], %add3A_107 {strides = array<i32>} : memref<8x16xf32, #tpu.memory_space<vmem>>, vector<8x16xf32>,
    } else {
    }
    %gt3A = arith.constant 0 : i32
    %gt3A_58 = arith.cmpi sgt, %arg0, %gt3A : i32
    %gt3A_59 = arith.constant 0 : i32
    %gt3A_60 = arith.cmpi sgt, %arg1, %gt3A_59 : i32
    %or3A = arith.ori %gt3A_58, %gt3A_60 : i1
    %convert_element_type3A_61 = arith.extui %or3A : i1 to i32
    %cond3A_62 = arith.constant 0 : i32
    %cond3A_63 = arith.cmpi ne, %convert_element_type3A_61, %cond3A_62 : i32
    scf.if %cond3A_63 {
      %get3A_64 = arith.constant 0 : index
      %get3A_65 = arith.constant 0 : index
      %get3A_66 = vector.load %arg6[%get3A_64, %get3A_65] : memref<8x16xf32, #tpu.memory_space<vmem>>, vector<8x16xf32>
      %add3A_67 = arith.addf %get3A_66, %select_n3A_51 : vector<8x16xf32>
      %swap3A_68 = arith.constant 0 : index
      %swap3A_69 = arith.constant 0 : index
      %swap3A_70 = vector.load %arg6[%swap3A_68, %swap3A_69] : memref<8x16xf32, #tpu.memory_space<vmem>>, vector<8x16xf32>
      tpu.vector_store %arg6[%swap3A_68, %swap3A_69], %add3A_67 {strides = array<i32>} : memref<8x16xf32, #tpu.memory_space<vmem>>, vector<8x16xf32>,
    } else {
    }
    return
  }
  func.func @transform_0(%arg0: i32, %arg1: i32) -> (i32, i32) {
    %c0_i32 = arith.constant 0 : i32
    %c0_i32_0 = arith.constant 0 : i32
    %c0_i32_1 = arith.constant 0 : i32
    return %c0_i32, %c0_i32_0 : i32, i32
  }
  func.func @transform_1(%arg0: i32, %arg1: i32) -> (i32, i32, i32) {
    %c0_i32 = arith.constant 0 : i32
    %c0_i32_0 = arith.constant 0 : i32
    return %arg0, %c0_i32, %arg1 : i32, i32, i32
  }
  func.func @transform_2(%arg0: i32, %arg1: i32) -> (i32, i32) {
    %c0_i32 = arith.constant 0 : i32
    %c0_i32_0 = arith.constant 0 : i32
    %c0_i32_1 = arith.constant 0 : i32
    return %c0_i32, %c0_i32_0 : i32, i32
  }
  func.func @transform_3(%arg0: i32, %arg1: i32) -> (i32, i32) {
    %c0_i32 = arith.constant 0 : i32
    %c0_i32_0 = arith.constant 0 : i32
    %c0_i32_1 = arith.constant 0 : i32
    return %c0_i32, %c0_i32_0 : i32, i32
  }
  func.func @transform_4(%arg0: i32, %arg1: i32) -> (i32, i32) {
    %c0_i32 = arith.constant 0 : i32
    %c0_i32_0 = arith.constant 0 : i32
    %c0_i32_1 = arith.constant 0 : i32
    return %c0_i32, %c0_i32_0 : i32, i32
  }
}

module attributes {stable_mosaic.version = 14 : i64} {
  func.func @_combine_body(%arg0: memref<64x9216xf32, #tpu.memory_space<vmem>>, %arg1: memref<4x16xf32, #tpu.memory_space<vmem>>, %arg2: memref<4x9200xf32, #tpu.memory_space<vmem>>, %arg3: memref<16x588xf32, #tpu.memory_space<vmem>>, %arg4: memref<588x400xf32, #tpu.memory_space<vmem>>, %arg5: memref<1x400xf32, #tpu.memory_space<vmem>>, %arg6: memref<16x9200xf32, #tpu.memory_space<vmem>>, %arg7: memref<16x400xf32, #tpu.memory_space<vmem>>) attributes {dimension_semantics = [], scalar_prefetch = 0 : i64, scratch_operands = 0 : i64, tpu.core_type = #tpu.core_type<tc>} {
    %get3A = arith.constant 0 : index
    %get3A_0 = arith.constant 0 : index
    %get3A_1 = vector.load %arg1[%get3A, %get3A_0] : memref<4x16xf32, #tpu.memory_space<vmem>>, vector<4x16xf32>
    %transpose3A = tpu.transpose %get3A_1, [1, 0] : vector<4x16xf32> -> vector<16x4xf32>
    %get3A_2 = arith.constant 0 : index
    %get3A_3 = arith.constant 0 : index
    %get3A_4 = vector.load %arg2[%get3A_2, %get3A_3] : memref<4x9200xf32, #tpu.memory_space<vmem>>, vector<4x9200xf32>
    %dot_general3A = arith.constant dense<0.000000e+00> : vector<16x9200xf32>
    %dot_general3A_5 = tpu.matmul %transpose3A, %get3A_4, %dot_general3A {dimension_numbers = #tpu.dot_dimension_numbers<[1], [0], [0], [1], [0, 0, 1, 1], [], []>, transpose_lhs_hint = false} : vector<16x4xf32>, vector<4x9200xf32>, vector<16x9200xf32> -> vector<16x9200xf32>
    %slice3A = vector.extract_strided_slice %transpose3A {offsets = [0, 0], sizes = [16, 1], strides = [1, 1]} : vector<16x4xf32> to vector<16x1xf32>
    %get3A_6 = arith.constant 0 : index
    %get3A_7 = arith.constant 0 : index
    %get3A_8 = vector.load %arg0[%get3A_6, %get3A_7] : memref<64x9216xf32, #tpu.memory_space<vmem>>, vector<16x9200xf32>
    %mul3A = vector.broadcast %slice3A : vector<16x1xf32> to vector<16x9200xf32>
    %mul3A_9 = arith.mulf %mul3A, %get3A_8 : vector<16x9200xf32>
    %add3A = arith.addf %dot_general3A_5, %mul3A_9 : vector<16x9200xf32>
    %slice3A_10 = vector.extract_strided_slice %transpose3A {offsets = [0, 1], sizes = [16, 1], strides = [1, 1]} : vector<16x4xf32> to vector<16x1xf32>
    %get3A_11 = arith.constant 16 : index
    %get3A_12 = arith.constant 0 : index
    %get3A_13 = vector.load %arg0[%get3A_11, %get3A_12] : memref<64x9216xf32, #tpu.memory_space<vmem>>, vector<16x9200xf32>
    %mul3A_14 = vector.broadcast %slice3A_10 : vector<16x1xf32> to vector<16x9200xf32>
    %mul3A_15 = arith.mulf %mul3A_14, %get3A_13 : vector<16x9200xf32>
    %add3A_16 = arith.addf %add3A, %mul3A_15 : vector<16x9200xf32>
    %slice3A_17 = vector.extract_strided_slice %transpose3A {offsets = [0, 2], sizes = [16, 1], strides = [1, 1]} : vector<16x4xf32> to vector<16x1xf32>
    %get3A_18 = arith.constant 32 : index
    %get3A_19 = arith.constant 0 : index
    %get3A_20 = vector.load %arg0[%get3A_18, %get3A_19] : memref<64x9216xf32, #tpu.memory_space<vmem>>, vector<16x9200xf32>
    %mul3A_21 = vector.broadcast %slice3A_17 : vector<16x1xf32> to vector<16x9200xf32>
    %mul3A_22 = arith.mulf %mul3A_21, %get3A_20 : vector<16x9200xf32>
    %add3A_23 = arith.addf %add3A_16, %mul3A_22 : vector<16x9200xf32>
    %slice3A_24 = vector.extract_strided_slice %transpose3A {offsets = [0, 3], sizes = [16, 1], strides = [1, 1]} : vector<16x4xf32> to vector<16x1xf32>
    %get3A_25 = arith.constant 48 : index
    %get3A_26 = arith.constant 0 : index
    %get3A_27 = vector.load %arg0[%get3A_25, %get3A_26] : memref<64x9216xf32, #tpu.memory_space<vmem>>, vector<16x9200xf32>
    %mul3A_28 = vector.broadcast %slice3A_24 : vector<16x1xf32> to vector<16x9200xf32>
    %mul3A_29 = arith.mulf %mul3A_28, %get3A_27 : vector<16x9200xf32>
    %add3A_30 = arith.addf %add3A_23, %mul3A_29 : vector<16x9200xf32>
    %swap3A = arith.constant 0 : index
    %swap3A_31 = arith.constant 0 : index
    %swap3A_32 = vector.load %arg6[%swap3A, %swap3A_31] : memref<16x9200xf32, #tpu.memory_space<vmem>>, vector<16x9200xf32>
    tpu.vector_store %arg6[%swap3A, %swap3A_31], %add3A_30 {strides = array<i32>} : memref<16x9200xf32, #tpu.memory_space<vmem>>, vector<16x9200xf32>,
    %get3A_33 = arith.constant 0 : index
    %get3A_34 = arith.constant 0 : index
    %get3A_35 = vector.load %arg3[%get3A_33, %get3A_34] : memref<16x588xf32, #tpu.memory_space<vmem>>, vector<16x588xf32>
    %get3A_36 = arith.constant 0 : index
    %get3A_37 = arith.constant 0 : index
    %get3A_38 = vector.load %arg4[%get3A_36, %get3A_37] : memref<588x400xf32, #tpu.memory_space<vmem>>, vector<588x400xf32>
    %dot_general3A_39 = arith.constant dense<0.000000e+00> : vector<16x400xf32>
    %dot_general3A_40 = tpu.matmul %get3A_35, %get3A_38, %dot_general3A_39 {dimension_numbers = #tpu.dot_dimension_numbers<[1], [0], [0], [1], [0, 0, 1, 1], [], []>, transpose_lhs_hint = false} : vector<16x588xf32>, vector<588x400xf32>, vector<16x400xf32> -> vector<16x400xf32>
    %get3A_41 = arith.constant 0 : index
    %get3A_42 = arith.constant 0 : index
    %get3A_43 = vector.load %arg5[%get3A_41, %get3A_42] : memref<1x400xf32, #tpu.memory_space<vmem>>, vector<1x400xf32>
    %add3A_44 = vector.broadcast %get3A_43 : vector<1x400xf32> to vector<16x400xf32>
    %add3A_45 = arith.addf %dot_general3A_40, %add3A_44 : vector<16x400xf32>
    %logistic3A = arith.negf %add3A_45 : vector<16x400xf32>
    %logistic3A_46 = math.exp %logistic3A : vector<16x400xf32>
    %logistic3A_47 = arith.constant 1.000000e+00 : f32
    %logistic3A_48 = vector.broadcast %logistic3A_47 : f32 to vector<16x400xf32>
    %logistic3A_49 = arith.addf %logistic3A_48, %logistic3A_46 : vector<16x400xf32>
    %logistic3A_50 = arith.divf %logistic3A_48, %logistic3A_49 : vector<16x400xf32>
    %swap3A_51 = arith.constant 0 : index
    %swap3A_52 = arith.constant 0 : index
    %swap3A_53 = vector.load %arg7[%swap3A_51, %swap3A_52] : memref<16x400xf32, #tpu.memory_space<vmem>>, vector<16x400xf32>
    tpu.vector_store %arg7[%swap3A_51, %swap3A_52], %logistic3A_50 {strides = array<i32>} : memref<16x400xf32, #tpu.memory_space<vmem>>, vector<16x400xf32>,
    return
  }
}

</mosaic_0001>

<sc_bundles>
// kernel: kernel.6.cloned.1.call-start
scs
__scs_entry_jumppad:
0x0: {  	(pc) =	sbr.rel $0x88, $3  }
0x1: {  	(tag) =	ssettag $0x0;
	lr =	simm.s32 $0x1  }
0x2: {  	[smem:$0x3F98] =	sst lr;
	_ =	strace $0xD0000000  }
0x3: {  	_ = 	snop  }
0x4: {  	_ = 	snop  }
0x5: {  	_ = 	snop  }
0x6: {  	_ = 	snop  }
0x7: {  	_ = 	snop  }
__scs_overlays_trampoline_lowered:
0x8: {  	[smem:$0x3FA7] =	sst s0  }
0x9: {  	[smem:$0x3FA8] =	sst s1  }
0xa: {  	[smem:$0x3FA9] =	sst s2  }
0xb: {  	[smem:$0x3FAA] =	sst s3  }
0xc: {  	[smem:$0x3FAB] =	sst s4  }
0xd: {  	[smem:$0x3FAC] =	sst s5  }
0xe: {  	[smem:$0x3FAD] =	sst s6  }
0xf: {  	[smem:$0x3FAE] =	sst s7  }
0x10: {  	[smem:$0x3FAF] =	sst s8  }
0x11: {  	[smem:$0x3FB0] =	sst s9;
	s0 =	simm.s32 @!p0 $0x0  }
0x12: {  	s1 =	sld [smem:$0x3F96];
	s0 =	simm.s32 @p0 $0x1  }
0x13: {  	[smem:$0x3FB1] =	sst s0;
	s0 =	simm.s32 @!p1 $0x0  }
0x14: {  	s2 =	sld [smem:$0x3F95];
	s0 =	simm.s32 @p1 $0x1  }
0x15: {  	[smem:$0x3FB2] =	sst s0;
	s0 =	simm.s32 @!p2 $0x0  }
0x16: {  	s3 =	sld [smem:$0x3FDB];
	s0 =	simm.s32 @p2 $0x1  }
0x17: {  	s4 =	simm.s32 $0x1BF5;
	[smem:$0x3FB4] =	sst s0  }
0x18: {  	s0 =	sld [smem:$0x3F97];
	_ =	swait.ge [sflag:s4], $0x0  }
0x19: {  	s7 =	sld [smem:$0x3F98]  }
0x1a: {  	s8 =	sadd.s32 $0xFFFFE003, lr  }
0x1b: {  	s9 =	sadd.s32 $0xFFFFFEF7, lr;
	s5 =	simm.s32 $0xFFFFFFFF;
	p2 =	slt.u32 s8, $0xFFFFF086  }
0x1c: {  	p1 =	slt.u32 s9, $0xF7A;
	s5 =	simm.s32 @!p2 $0x0  }
0x1d: {  	s5 =	simm.s32 @p1 $0x1;
	p0 =	seq.s32 s7, s2  }
0x1e: {  	s7 =	smul.u32 @!p0 $0xF7A, s2;
	p2 =	seq.s32 @!p0 s5, $0x0  }
0x1f: {  	s9 =	smul.u32 $0xF7A, s1;
	s8 =	simm.s32 @!p0 $0x1BF5;
	p2 =	por !p2, p0  }
0x20: {  	[sflag:s8] =	ssyncset.s32 @!p0 $0xFFFFF086;
	s6 =	sadd.s32 @!p0 s3, s7;
	s7 =	simm.s32 @!p0 $0x108  }
0x21: {  	s3 =	sadd.s32 s3, s9;
	s6 =	sadd.s32 @!p0 $0x88, s6;
	s7 =	simm.s32 @p2 $0x1082  }
0x22: {  	[simem:s7], [sflag:s8] =	dma.local @!p0 [hbm:s6], $0xF7A  }
0x23: {  	s9 =	sor.u32 $0xD0000000, s2;
	s6 =	simm.s32 $0x108;
	_ =	swait.ge @!p0 [sflag:s8], $0x0  }
0x24: {  	s3 =	sadd.s32 $0x88, s3;
	s6 =	simm.s32 @!p1 $0x1082;
	[sflag:s4] =	ssyncset.s32 $0xFFFFF086  }
0x25: {  	[simem:s6], [sflag:s4] =	dma.local [hbm:s3], $0xF7A  }
0x26: {  	[smem:$0x3F98] =	sst s1;
	(tag) =	ssettag s2;
	_ =	strace s9  }
0x27: {  	s1 =	sld [smem:$0x3FA8]  }
0x28: {  	s2 =	sld [smem:$0x3FA9]  }
0x29: {  	s4 =	sld [smem:$0x3FAB]  }
0x2a: {  	p0 =	seq.s32 s5, $0x0;
	s5 =	sld [smem:$0x3FAC]  }
0x2b: {  	s6 =	sld [smem:$0x3FAD]  }
0x2c: {  	s7 =	sld [smem:$0x3FAE]  }
0x2d: {  	s3 =	simm.s32 $0x108;
	s8 =	sld [smem:$0x3FAF]  }
0x2e: {  	s3 =	simm.s32 @!p0 $0x1082;
	s9 =	sld [smem:$0x3FB0]  }
0x2f: {  	lr =	sadd.s32 s0, s3;
	s0 =	sld [smem:$0x3FA7]  }
0x30: {  	s3 =	sld [smem:$0x3FAA]  }
0x31: {  	[smem:$0x3FB3] =	sst s10  }
0x32: {  	s10 =	sld [smem:$0x3FB1];
	_ =	sdelay $0x3  }
0x33: {  	p0 =	seq.s32 s10, $0x1;
	s10 =	sld [smem:$0x3FB3];
	_ =	sdelay $0x3  }
0x34: {  	[smem:$0x3FB3] =	sst s10  }
0x35: {  	s10 =	sld [smem:$0x3FB2];
	_ =	sdelay $0x3  }
0x36: {  	p1 =	seq.s32 s10, $0x1;
	s10 =	sld [smem:$0x3FB3];
	_ =	sdelay $0x3  }
0x37: {  	[smem:$0x3FB3] =	sst s10  }
0x38: {  	s10 =	sld [smem:$0x3FB4]  }
0x39: {  	_ = 	snop;
	(pc) =	sbr.ind lr, $3  }
0x3a: {  	_ = 	snop  }
0x3b: {  	_ = 	snop  }
0x3c: {  	p2 =	seq.s32 s10, $0x1;
	s10 =	sld [smem:$0x3FB3]  }
0x3d: {  	_ =	shalt  }
0x3e: {  	_ =	shalt  }
0x3f: {  	_ =	shalt  }
0x40: {  	_ =	shalt  }
0x41: {  	_ =	shalt  }
0x42: {  	_ =	shalt  }
0x43: {  	_ =	shalt  }
0x44: {  	_ =	shalt  }
0x45: {  	_ =	shalt  }
0x46: {  	_ =	shalt  }
0x47: {  	_ =	shalt  }
0x48: {  	_ =	shalt  }
0x49: {  	_ =	shalt  }
0x4a: {  	_ =	shalt  }
0x4b: {  	_ =	shalt  }
0x4c: {  	_ =	shalt  }
0x4d: {  	_ =	shalt  }
0x4e: {  	_ =	shalt  }
0x4f: {  	_ =	shalt  }
0x50: {  	_ =	shalt  }
0x51: {  	_ =	shalt  }
0x52: {  	_ =	shalt  }
0x53: {  	_ =	shalt  }
0x54: {  	_ =	shalt  }
0x55: {  	_ =	shalt  }
0x56: {  	_ =	shalt  }
0x57: {  	_ =	shalt  }
0x58: {  	_ =	shalt  }
0x59: {  	_ =	shalt  }
0x5a: {  	_ =	shalt  }
0x5b: {  	_ =	shalt  }
0x5c: {  	_ =	shalt  }
0x5d: {  	_ =	shalt  }
0x5e: {  	_ =	shalt  }
0x5f: {  	_ =	shalt  }
0x60: {  	_ =	shalt  }
0x61: {  	_ =	shalt  }
0x62: {  	_ =	shalt  }
0x63: {  	_ =	shalt  }
0x64: {  	_ =	shalt  }
0x65: {  	_ =	shalt  }
0x66: {  	_ =	shalt  }
0x67: {  	_ =	shalt  }
0x68: {  	_ =	shalt  }
0x69: {  	_ =	shalt  }
0x6a: {  	_ =	shalt  }
0x6b: {  	_ =	shalt  }
0x6c: {  	_ =	shalt  }
0x6d: {  	_ =	shalt  }
0x6e: {  	_ =	shalt  }
0x6f: {  	_ =	shalt  }
0x70: {  	_ =	shalt  }
0x71: {  	_ =	shalt  }
0x72: {  	_ =	shalt  }
0x73: {  	_ =	shalt  }
0x74: {  	_ =	shalt  }
0x75: {  	_ =	shalt  }
0x76: {  	_ =	shalt  }
0x77: {  	_ =	shalt  }
0x78: {  	_ =	shalt  }
0x79: {  	_ =	shalt  }
0x7a: {  	_ =	shalt  }
0x7b: {  	_ =	shalt  }
0x7c: {  	_ =	shalt  }
0x7d: {  	_ =	shalt  }
0x7e: {  	_ =	shalt  }
0x7f: {  	_ =	shalt  }
0x80: {  	_ =	shalt  }
0x81: {  	_ =	shalt  }
0x82: {  	_ =	shalt  }
0x83: {  	_ =	shalt  }
0x84: {  	_ =	shalt  }
0x85: {  	_ =	shalt  }
0x86: {  	_ =	shalt  }
0x87: {  	_ =	shalt  }
.Lfunc_end0:
.L_simem_size_0:
called_computation_lowered:
.L_overlay_start_0:
0x88: {  	s2 =	sld [smem:$0x3FD9]  }
0x89: {  	s3 =	sld [smem:$0x3FFE];
	_ =	sdelay $0x1  }
0x8a: {  	s1 =	srdreg.scid  }
0x8b: {  	s0 =	sand.u32 $0x1, s1  }
0x8c: {  	s14 =	sshll.u32 s0, $0xA;
	s2 =	sadd.s32 s3, s2  }
0x8d: {  	s2 =	sadd.s32 s2, s14  }
0x8e: {  	[smem:$0x3FBF] =	sst s2  }
0x8f: {  	_ = 	snop  }
0x90: {  	s2 =	sld [smem:$0x3FD0];
	_ =	sdelay $0x2  }
0x91: {  	s15 =	simm.s32 $0xA;
	s4 =	simm.s32 $0x10  }
0x92: {  	[smem:s4], [sflag:s15] =	dma.local [hbm:s2], $0x1  }
0x93: {  	_ =	swait.eq [sflag:s15], $0x1  }
0x94: {  	s16 =	sld [smem:$0x10]  }
0x95: {  	s17 =	sld [smem:$0x11]  }
0x96: {  	s5 =	sld [smem:$0x12]  }
0x97: {  	s6 =	sld [smem:$0x13];
	[sflag:s15] =	ssyncset.done $0x0  }
0x98: {  	s7 =	sld [smem:$0x14];
	[sflag:s15] =	ssyncadd.s32 $0xFFFFFFFF  }
0x99: {  	s18 =	sld [smem:$0x15];
	(tm) =	ssettm $0x1  }
0x9a: {  	s8 =	sld [smem:$0x3FFB];
	_ =	sdelay $0x3  }
0x9b: {  	_ =	strace s8  }
0x9c: {  	s8 =	sld [smem:$0x3FFC];
	_ =	sdelay $0x3  }
0x9d: {  	_ =	strace s8  }
0x9e: {  	s8 =	sld [smem:$0x3FFD];
	_ =	sdelay $0x3  }
0x9f: {  	_ =	strace s8  }
0xa0: {  	_ =	strace $0x8FFFFFFF  }
0xa1: {  	s19 =	sld [smem:$0x3FDB];
	_ =	sdelay $0x1  }
0xa2: {  	s9 =	simm.s32 $_scs_section_size  }
0xa3: {  	s10 =	simm.s32 $_size__tile_overlayer_lowered;
	s11 =	simm.s32 $_tile_overlayer_lowered  }
0xa4: {  	s22 =	simm.s32 $0x1BFF;
	s21 =	sshll.u32 s11, $0x1;
	s8 =	sadd.s32 s9, s19  }
0xa5: {  	s12 =	simm.s32 $0x0;
	s20 =	sshll.u32 s10, $0x1;
	s10 =	sadd.s32 s21, s8  }
0xa6: {  	[timem:s12], [sflag:s22] =	dma.local [hbm:s10], s20  }
0xa7: {  	_ =	swait.ge [sflag:s22], s20  }
0xa8: {  	s9 =	ssub.s32 $0x0, s20;
	[sflag:s22] =	ssyncset.done $0x0  }
0xa9: {  	[sflag:s22] =	ssyncadd.s32 s9;
	_ =	sdelay $0x1  }
0xaa: {  	s23 =	simm.s32 $0x1B8B  }
0xab: {  	_ =	swait.ge [sflag:s23], $0x1  }
0xac: {  	[sflag:s23] =	ssyncset.done $0x0  }
0xad: {  	s25 =	simm.s32 $0x1B8E;
	s24 =	sld [smem:$0x3FFE];
	[sflag:s23] =	ssyncadd.s32 $0xFFFFFFFF  }
0xae: {  	s26 =	simm.s32 $execute0_lowered;
	[smem:$0x3FD2] =	sst s25  }
0xaf: {  	s10 =	sshll.u32 s26, $0x1;
	_ =	strace $0x80000046;
	[dreg:$0x1] =	wrdreg $0xFFFFFFFF  }
0xb0: {  	s28 =	simm.s32 $_size_execute0_lowered;
	s8 =	sadd.s32 s8, s10;
	[dreg:$0x0] =	wrdreg $0x0  }
0xb1: {  	s10 =	sshll.u32 s28, $0x1;
	[dreg:$0x2] =	wrdreg s8  }
0xb2: {  	[dreg:$0x3] =	wrdreg s10  }
0xb3: {  	[dreg:$0x4] =	wrdreg $0xC0  }
0xb4: {  	_ =	task [dreg:s12], $0x5FFFF  }
0xb5: {  	[dreg:$0x1] =	wrdreg $0xFFFFFFFF  }
0xb6: {  	[dreg:$0x0] =	wrdreg $0x60  }
0xb7: {  	[dreg:$0x2] =	wrdreg s24  }
0xb8: {  	[dreg:$0x3] =	wrdreg s17  }
0xb9: {  	[dreg:$0x4] =	wrdreg s16  }
0xba: {  	[dreg:$0x5] =	wrdreg s7  }
0xbb: {  	[dreg:$0x6] =	wrdreg s6  }
0xbc: {  	[dreg:$0x7] =	wrdreg s18  }
0xbd: {  	[dreg:$0x8] =	wrdreg s5  }
0xbe: {  	[dreg:$0x9] =	wrdreg $0x9  }
0xbf: {  	_ =	task.clear_ibuf [dreg:s12], $0xAFFFF;
	_ =	strace $0x90000046  }
0xc0: {  	s29 =	simm.s32 $0x9;
	_ =	strace $0x80000048  }
0xc1: {  	_ =	swait.ge [sflag:s29], $0x1  }
0xc2: {  	[sflag:s29] =	ssyncadd.s32 $0xFFFFFFFF  }
0xc3: {  	_ =	strace $0x90000048  }
0xc4: {  	_ =	sfence  }
0xc5: {  	s30 =	sld [smem:$0x0];
	_ =	sdelay $0x2  }
0xc6: {  	s31 =	sshll.u32 s1, $0xD;
	s1 =	sshrl.u32 s1, $0x2  }
0xc7: {  	s3 =	sand.u32 $0x4000, s31;
	s1 =	sadd.s32 s1, s30  }
0xc8: {  	s0 =	sor.u32 s3, s0;
	s1 =	sshll.u32 s1, $0x11  }
0xc9: {  	s0 =	sor.u32 s1, s0  }
0xca: {  	s0 =	sadd.s32 $0x8F2B, s0  }
0xcb: {  	[sflag:s0] =	ssyncadd.remote.s32 $0x1  }
0xcc: {  	_ =	sfence.sel $0xFFFF  }
0xcd: {  	[dreg:$0x0] =	wrdreg $0xFFFFFFFF;
	(pc) =	sbr.abs _section_cstart, $3  }
0xce: {  	[dreg:$0x1] =	wrdreg $0xFFFFFFFF  }
0xcf: {  	_ =	task.clear_ibuf [dreg:s12], $0x2FFFF;
	_ =	strace $0x9FFFFFFF  }
0xd0: {  	(tm) =	ssettm $0x7FFFFFFF  }
0xd1: {  	_ =	shalt  }
tec
execute0_lowered:
.L_overlay_start_1:
0x0: {  	(tag) =	ssettag $0x1  }
0x1: {  	s3 =	srdreg.scid  }
0x2: {  	s10 =	rddreg [dreg:$0x0];
	s9 =	sand.u32 $0x1, s3;
	s3 =	stileid.u32  }
0x3: {  	s0 =	rddreg [dreg:$0x1];
	s8 =	sor.u32 s3, s9  }
0x4: {  	s1 =	rddreg [dreg:$0x2];
	p0 =	sne.s32 s8, $0x0  }
.Ltmp0:
0x5: {  	s2 =	rddreg [dreg:$0x3];
	(pc) =	sbr.rel @p0 .LBB2_3-.Ltmp0, $4  }
0x6: {  	s4 =	rddreg [dreg:$0x4]  }
0x7: {  	s6 =	rddreg [dreg:$0x5]  }
0x8: {  	s7 =	rddreg [dreg:$0x6]  }
0x9: {  	s5 =	rddreg [dreg:$0x7];
	_ =	strace $0x80000047  }
0xa: {  	s8 =	sadd.s32 $0x2000, s10;
	s11 =	ssub.s32 $0x2, s9  }
0xb: {  	s9 =	sadd.s32 $0x2200, s10;
	s10 =	sadd.s32 $0x2400, s10;
	s13 =	simm.s32 $0x400  }
0xc: {  	s14 =	simm.s32 $0x2400;
	s15 =	simm.s32 $0x2C00;
	s16 =	simm.s32 $0x4C00  }
0xd: {  	s17 =	simm.s32 $0x1;
	s18 =	simm.s32 $0x4E00;
	s19 =	simm.s32 $0x5000  }
0xe: {  	s20 =	simm.s32 $0x5200;
	s21 =	simm.s32 $0x5300;
	s12 =	sshrl.u32 s11, $0x1  }
0xf: {  	s22 =	simm.s32 $0x2;
	s11 =	ssub.s32 s11, s12;
	s12 =	simm.s32 $0x0  }
.LBB2_2:
0x10: {  	[tilespmem:s12], [sflag:$0x1] =	stream.linear.gather [hbm4b:s8+s12], $0x400, $0x38;
	[tilespmem:$0x5600] =	vst v63  }
0x11: {  	_ = 	snop  }
0x12: {  	[tilespmem:s13], [sflag:$0x1] =	stream.linear.gather [hbm4b:s0+s12], $0x2000, $0x38;
	[tilespmem:$0x5600] =	vst v63  }
0x13: {  	_ = 	snop  }
0x14: {  	[tilespmem:s14], [sflag:$0x1] =	stream.linear.gather [hbm4b:s9+s12], $0x800, $0x38;
	[tilespmem:$0x5600] =	vst v63  }
0x15: {  	_ = 	snop  }
0x16: {  	[tilespmem:s15], [sflag:$0x1] =	stream.linear.gather [hbm4b:s1+s12], $0x2000, $0x38;
	[tilespmem:$0x5600] =	vst v63  }
0x17: {  	_ = 	snop  }
0x18: {  	[tilespmem:s16], [sflag:$0x1] =	stream.linear.gather [hbm4b:s10+s12], $0x200, $0x38;
	[tilespmem:$0x5600] =	vst v63  }
0x19: {  	_ =	swait.ge [sflag:s17], $0x400  }
0x1a: {  	[sflag:s17] =	ssyncset.done $0x0  }
0x1b: {  	[sflag:s17] =	ssyncadd.s32 $0xFFFFFC00  }
0x1c: {  	_ =	swait.ge [sflag:s17], $0x2000  }
0x1d: {  	[sflag:s17] =	ssyncset.done $0x0  }
0x1e: {  	[sflag:s17] =	ssyncadd.s32 $0xFFFFE000  }
0x1f: {  	_ =	swait.ge [sflag:s17], $0x800  }
0x20: {  	[sflag:s17] =	ssyncset.done $0x0  }
0x21: {  	[sflag:s17] =	ssyncadd.s32 $0xFFFFF800  }
0x22: {  	_ =	swait.ge [sflag:s17], $0x2000  }
0x23: {  	[sflag:s17] =	ssyncset.done $0x0  }
0x24: {  	[sflag:s17] =	ssyncadd.s32 $0xFFFFE000  }
0x25: {  	_ =	swait.ge [sflag:s17], $0x200  }
0x26: {  	[sflag:s17] =	ssyncset.done $0x0  }
0x27: {  	[sflag:s17] =	ssyncadd.s32 $0xFFFFFE00  }
0x28: {  	v1 =	vld [tilespmem:$0x0]  }
0x29: {  	v2 =	vld [tilespmem:$0x80]  }
0x2a: {  	v3 =	vld [tilespmem:$0x100]  }
0x2b: {  	v4 =	vld [tilespmem:$0x180]  }
0x2c: {  	v9 =	vld [tilespmem:$0x2400]  }
0x2d: {  	v10 =	vld [tilespmem:$0x400]  }
0x2e: {  	v11 =	vld [tilespmem:$0xC00]  }
0x2f: {  	v12 =	vld [tilespmem:$0x1400]  }
0x30: {  	v14 =	vld [tilespmem:$0x1C00]  }
0x31: {  	v15 =	vld [tilespmem:$0x2480]  }
0x32: {  	v16 =	vld [tilespmem:$0x480]  }
0x33: {  	v18 =	vld [tilespmem:$0xC80]  }
0x34: {  	v19 =	vld [tilespmem:$0x1480]  }
0x35: {  	v20 =	vld [tilespmem:$0x1C80]  }
0x36: {  	v21 =	vld [tilespmem:$0x2500]  }
0x37: {  	v22 =	vld [tilespmem:$0x500];
	v1 =	vmul.f32 $9.999999770e-03, v1  }
0x38: {  	v23 =	vld [tilespmem:$0xD00]  }
0x39: {  	v24 =	vld [tilespmem:$0x1500];
	v1 =	vsub.f32 $0.0e+00, v1  }
0x3a: {  	v25 =	vld [tilespmem:$0x1D00]  }
0x3b: {  	v26 =	vld [tilespmem:$0x2580];
	v1 =	vmul.f32 $1.442695020e+00, v1  }
0x3c: {  	v27 =	vld [tilespmem:$0x580]  }
0x3d: {  	v28 =	vld [tilespmem:$0xD80];
	(erf) = vpow2.f32 v1  }
0x3e: {  	v29 =	vld [tilespmem:$0x1580]  }
0x3f: {  	v30 =	vld [tilespmem:$0x1D80]  }
0x40: {  	v31 =	vld [tilespmem:$0x2600]  }
0x41: {  	v32 =	vld [tilespmem:$0x600]  }
0x42: {  	v33 =	vld [tilespmem:$0xE00]  }
0x43: {  	v34 =	vld [tilespmem:$0x1600]  }
0x44: {  	v35 =	vld [tilespmem:$0x1E00];
	v57 =	vmul.f32 $9.999999770e-03, v2  }
0x45: {  	v36 =	vld [tilespmem:$0x2680]  }
0x46: {  	v37 =	vld [tilespmem:$0x680];
	v1 =	vsub.f32 $0.0e+00, v57;
	v58 =	vpop (erf)  }
0x47: {  	v38 =	vld [tilespmem:$0xE80];
	v2 =	vadd.f32 $1.000000000e+00, v58  }
0x48: {  	v39 =	vld [tilespmem:$0x1680];
	v1 =	vmul.f32 $1.442695020e+00, v1  }
0x49: {  	v40 =	vld [tilespmem:$0x1E80];
	(erf) = vrcp.f32 v2  }
0x4a: {  	v41 =	vld [tilespmem:$0x2700];
	(erf) = vpow2.f32 v1  }
0x4b: {  	v42 =	vld [tilespmem:$0x700]  }
0x4c: {  	v43 =	vld [tilespmem:$0xF00]  }
0x4d: {  	v44 =	vld [tilespmem:$0x1700]  }
0x4e: {  	v45 =	vld [tilespmem:$0x1F00]  }
0x4f: {  	v46 =	vld [tilespmem:$0x2780]  }
0x50: {  	v47 =	vld [tilespmem:$0x780]  }
0x51: {  	v48 =	vld [tilespmem:$0xF80];
	v59 =	vmul.f32 $9.999999770e-03, v3  }
0x52: {  	v49 =	vld [tilespmem:$0x1780];
	v1 =	vpop (erf)  }
0x53: {  	v0 =	vld [tilespmem:$0x1F80];
	v2 =	vsub.f32 $0.0e+00, v59;
	v60 =	vpop (erf)  }
0x54: {  	v50 =	vld [tilespmem:$0x2800];
	v3 =	vadd.f32 $1.000000000e+00, v60  }
0x55: {  	v51 =	vld [tilespmem:$0x800];
	v2 =	vmul.f32 $1.442695020e+00, v2  }
0x56: {  	v52 =	vld [tilespmem:$0x1000];
	(erf) = vrcp.f32 v3  }
0x57: {  	v53 =	vld [tilespmem:$0x1800];
	(erf) = vpow2.f32 v2  }
0x58: {  	v54 =	vld [tilespmem:$0x2000]  }
0x59: {  	v55 =	vld [tilespmem:$0x2880]  }
0x5a: {  	v56 =	vld [tilespmem:$0x880]  }
0x5b: {  	v6 =	vld [tilespmem:$0x2100]  }
0x5c: {  	v13 =	vld [tilespmem:$0x2080]  }
0x5d: {  	v8 =	vld [tilespmem:$0x1900]  }
0x5e: {  	v5 =	vld [tilespmem:$0x1180];
	v61 =	vmul.f32 $9.999999770e-03, v4  }
0x5f: {  	v7 =	vld [tilespmem:$0x2180];
	v2 =	vpop (erf)  }
0x60: {  	[tilespmem:$0x1FFE0] =	vst v6;
	v6 =	vld [tilespmem:$0x1980];
	v3 =	vsub.f32 $0.0e+00, v61;
	v62 =	vpop (erf)  }
0x61: {  	[tilespmem:$0x1FFD0] =	vst v0;
	v0 =	vld [tilespmem:$0xA00];
	v4 =	vadd.f32 $1.000000000e+00, v62  }
0x62: {  	v57 =	vld [tilespmem:$0x1080];
	v3 =	vmul.f32 $1.442695020e+00, v3  }
0x63: {  	v58 =	vld [tilespmem:$0x1880];
	(erf) = vrcp.f32 v4  }
0x64: {  	v59 =	vld [tilespmem:$0x2900];
	v16 =	vmul.f32 v16, v1;
	(erf) = vpow2.f32 v3  }
0x65: {  	v17 =	vmul.f32 v1, v10;
	v22 =	vmul.f32 v22, v1;
	v60 =	vld [tilespmem:$0x900]  }
0x66: {  	[tilespmem:$0x1FFF0] =	vst v7;
	v10 =	vld [tilespmem:$0x2A00];
	v42 =	vmul.f32 v42, v1;
	v15 =	vadd.f32 v16, v15;
	v7 =	vmul.f32 v2, v11  }
0x67: {  	v21 =	vadd.f32 v22, v21;
	v61 =	vld [tilespmem:$0x1100];
	v16 =	vmul.f32 v18, v2;
	v22 =	vmul.f32 v23, v2  }
0x68: {  	v42 =	vadd.f32 v42, v41;
	v11 =	vld [tilespmem:$0x1200];
	v41 =	vmul.f32 v43, v2;
	v43 =	vmul.f32 v47, v1  }
0x69: {  	v18 =	vld [tilespmem:$0xA80];
	v47 =	vmul.f32 v48, v2;
	v48 =	vmul.f32 v52, v2  }
0x6a: {  	v23 =	vld [tilespmem:$0x1280];
	v52 =	vmul.f32 v57, v2;
	v57 =	vmul.f32 v60, v1  }
0x6b: {  	v62 =	vld [tilespmem:$0x2980]  }
0x6c: {  	v46 =	vadd.f32 v43, v46;
	v43 =	vld [tilespmem:$0x3000];
	v60 =	vadd.f32 v57, v59;
	v57 =	vmul.f32 v0, v1;
	v3 =	vpop (erf)  }
0x6d: {  	v0 =	vld [tilespmem:$0x4200];
	v63 =	vpop (erf)  }
0x6e: {  	v59 =	vadd.f32 v57, v10;
	v10 =	vld [tilespmem:$0x4600];
	v11 =	vmul.f32 v11, v2;
	v4 =	vadd.f32 $1.000000000e+00, v63  }
0x6f: {  	v57 =	vld [tilespmem:$0x3080]  }
0x70: {  	v11 =	vadd.f32 v11, v59;
	v59 =	vld [tilespmem:$0x3280];
	(erf) = vrcp.f32 v4  }
0x71: {  	v15 =	vadd.f32 v16, v15;
	v16 =	vmul.f32 v19, v3;
	v19 =	vmul.f32 v27, v1;
	v27 =	vld [tilespmem:$0x1A80]  }
0x72: {  	v21 =	vadd.f32 v22, v21;
	v22 =	vmul.f32 v24, v3;
	v24 =	vld [tilespmem:$0x2B00]  }
0x73: {  	v28 =	vmul.f32 v28, v2;
	v63 =	vld [tilespmem:$0x980];
	v4 =	vadd.f32 v17, v9  }
0x74: {  	v15 =	vadd.f32 v16, v15;
	v16 =	vadd.f32 v19, v26;
	v26 =	vmul.f32 v32, v1;
	v32 =	vld [tilespmem:$0x1B00]  }
0x75: {  	v17 =	vld [tilespmem:$0x1A00];
	v4 =	vadd.f32 v7, v4  }
0x76: {  	v19 =	vmul.f32 v29, v3;
	v9 =	vmul.f32 v3, v12;
	v12 =	vld [tilespmem:$0x2200];
	v16 =	vadd.f32 v28, v16  }
0x77: {  	v28 =	vld [tilespmem:$0x1300]  }
0x78: {  	v33 =	vmul.f32 v33, v2;
	v7 =	vld [tilespmem:$0x2A80];
	v16 =	vadd.f32 v19, v16;
	v19 =	vadd.f32 v26, v31  }
0x79: {  	v26 =	vld [tilespmem:$0x2300];
	v9 =	vadd.f32 v9, v4;
	v4 =	vpop (erf)  }
0x7a: {  	v19 =	vadd.f32 v33, v19;
	v33 =	vadd.f32 v47, v46;
	v46 =	vld [tilespmem:$0x3600];
	v14 =	vmul.f32 v4, v14  }
0x7b: {  	v21 =	vadd.f32 v22, v21;
	v20 =	vmul.f32 v20, v4;
	v22 =	vmul.f32 v25, v4;
	v25 =	vld [tilespmem:$0xB00]  }
0x7c: {  	v9 =	vadd.f32 v14, v9;
	v14 =	vld [tilespmem:$0x2280]  }
0x7d: {  	v29 =	vadd.f32 v20, v15;
	v15 =	vmul.f32 v37, v1;
	v20 =	vmul.f32 v34, v3;
	v34 =	vld [tilespmem:$0xB80]  }
0x7e: {  	v22 =	vadd.f32 v22, v21;
	v37 =	vmul.f32 v30, v4;
	v21 =	vld [tilespmem:$0x2380]  }
0x7f: {  	v61 =	vmul.f32 v61, v2;
	v39 =	vmul.f32 v39, v3;
	v30 =	vadd.f32 v15, v36;
	v15 =	vld [tilespmem:$0x2B80]  }
0x80: {  	v49 =	vmul.f32 v49, v3;
	v31 =	vmul.f32 v38, v2;
	v36 =	vadd.f32 v37, v16;
	v16 =	vld [tilespmem:$0x1380]  }
0x81: {  	v35 =	vmul.f32 v35, v4;
	v19 =	vadd.f32 v20, v19;
	v20 =	vld [tilespmem:$0x1B80];
	v37 =	vmul.f32 v40, v4  }
0x82: {  	v40 =	vld [tilespmem:$0x2E00];
	v38 =	vadd.f32 v31, v30;
	v31 =	vadd.f32 v41, v42;
	v42 =	vmul.f32 v44, v3  }
0x83: {  	v44 =	vmul.f32 v51, v1;
	v51 =	vmul.f32 v45, v4;
	v45 =	vld [tilespmem:$0x3200]  }
0x84: {  	v18 =	vmul.f32 v18, v1;
	v33 =	vadd.f32 v49, v33;
	v30 =	vadd.f32 v39, v38;
	v39 =	vld [tilespmem:$0x4C00]  }
0x85: {  	v17 =	vmul.f32 v17, v3;
	v35 =	vadd.f32 v35, v19;
	v31 =	vadd.f32 v42, v31;
	v42 =	vld [tilespmem:$0x3400]  }
0x86: {  	v5 =	vmul.f32 v5, v2;
	v19 =	vadd.f32 v44, v50;
	v44 =	vadd.f32 v61, v60;
	v60 =	vld [tilespmem:$0x1FFE0]  }
0x87: {  	v6 =	vmul.f32 v6, v3;
	v7 =	vadd.f32 v18, v7;
	v11 =	vadd.f32 v17, v11;
	v61 =	vld [tilespmem:$0x1FFF0]  }
0x88: {  	v13 =	vmul.f32 v13, v4;
	v12 =	vmul.f32 v12, v4;
	v30 =	vadd.f32 v37, v30;
	v37 =	vld [tilespmem:$0x2C00]  }
0x89: {  	v50 =	vmul.f32 v56, v1;
	v31 =	vadd.f32 v51, v31;
	v51 =	vmul.f32 v53, v3;
	v53 =	vld [tilespmem:$0x1FFD0]  }
0x8a: {  	v26 =	vmul.f32 v26, v4;
	v18 =	vadd.f32 v12, v11;
	v19 =	vadd.f32 v48, v19;
	v48 =	vld [tilespmem:$0x3800]  }
0x8b: {  	v9 =	vmax.f32 v9, $0.0e+00;
	v29 =	vmax.f32 v29, $0.0e+00;
	v56 =	vadd.f32 v50, v55;
	v50 =	vld [tilespmem:$0x3A00]  }
0x8c: {  	v55 =	vmul.f32 v54, v4;
	v54 =	vmul.f32 v27, v3;
	v27 =	vld [tilespmem:$0x4080];
	v19 =	vadd.f32 v51, v19  }
0x8d: {  	v22 =	vmax.f32 v22, $0.0e+00;
	v38 =	vadd.f32 v52, v56;
	v56 =	vmul.f32 v58, v3;
	v51 =	vld [tilespmem:$0x3E00]  }
0x8e: {  	v43 =	vmul.f32 v43, v22;
	v14 =	vmul.f32 v14, v4;
	v41 =	vadd.f32 v55, v19;
	v19 =	vld [tilespmem:$0x4000]  }
0x8f: {  	v58 =	vmul.f32 v63, v1;
	v38 =	vadd.f32 v56, v38;
	v56 =	vmul.f32 v8, v3;
	v8 =	vld [tilespmem:$0x4400]  }
0x90: {  	v36 =	vmax.f32 v36, $0.0e+00;
	v21 =	vmul.f32 v21, v4;
	v16 =	vmul.f32 v16, v2;
	v55 =	vld [tilespmem:$0x2E80]  }
0x91: {  	v63 =	vadd.f32 v58, v62;
	v62 =	vmul.f32 v61, v4;
	v61 =	vmul.f32 v32, v3;
	v32 =	vld [tilespmem:$0x3A80]  }
0x92: {  	v20 =	vmul.f32 v20, v3;
	v30 =	vmax.f32 v30, $0.0e+00;
	v47 =	vmul.f32 v53, v4;
	v53 =	vld [tilespmem:$0x2C80]  }
0x93: {  	v49 =	vmul.f32 v60, v4;
	v5 =	vadd.f32 v5, v63;
	v63 =	vmul.f32 v23, v2;
	v23 =	vld [tilespmem:$0x4C80]  }
0x94: {  	v38 =	vadd.f32 v13, v38;
	v58 =	vadd.f32 v56, v44;
	v56 =	vmul.f32 v28, v2;
	v13 =	vld [tilespmem:$0x4880]  }
0x95: {  	v35 =	vmax.f32 v35, $0.0e+00;
	v28 =	vmul.f32 v57, v22;
	v57 =	vmul.f32 v46, v30;
	v46 =	vld [tilespmem:$0x2D80]  }
0x96: {  	v31 =	vmax.f32 v31, $0.0e+00;
	v33 =	vadd.f32 v47, v33;
	v47 =	vld [tilespmem:$0x3C00];
	v52 =	vadd.f32 v6, v5  }
0x97: {  	v41 =	vmax.f32 v41, $0.0e+00;
	v6 =	vld [tilespmem:$0x4800];
	v44 =	vadd.f32 v49, v58;
	v7 =	vadd.f32 v63, v7  }
0x98: {  	v5 =	vld [tilespmem:$0x4A00];
	v58 =	vmul.f32 v37, v9;
	v63 =	vmul.f32 v40, v29;
	v38 =	vmax.f32 v38, $0.0e+00  }
0x99: {  	v37 =	vld [tilespmem:$0x3680];
	v55 =	vmul.f32 v55, v29;
	v49 =	vadd.f32 v62, v52;
	v52 =	vmul.f32 v25, v1  }
0x9a: {  	v33 =	vmax.f32 v33, $0.0e+00;
	v7 =	vadd.f32 v54, v7;
	v62 =	vld [tilespmem:$0x3480];
	v11 =	vadd.f32 v58, v39  }
0x9b: {  	v39 =	vld [tilespmem:$0x3880];
	v54 =	vmul.f32 v45, v36;
	v58 =	vmul.f32 v59, v36;
	v17 =	vadd.f32 v52, v24  }
0x9c: {  	v25 =	vld [tilespmem:$0x3C80];
	v59 =	vmul.f32 v48, v31;
	v40 =	vadd.f32 v63, v11;
	v52 =	vmul.f32 v53, v9  }
0x9d: {  	v53 =	vmul.f32 v34, v1;
	v34 =	vld [tilespmem:$0x3E80];
	v48 =	vmul.f32 v47, v41;
	v60 =	vadd.f32 v56, v17  }
0x9e: {  	v63 =	vld [tilespmem:$0x2F00];
	v45 =	vmul.f32 v37, v30;
	v17 =	vadd.f32 v14, v7;
	v7 =	vadd.f32 v43, v40  }
0x9f: {  	v14 =	vadd.f32 v52, v23;
	v56 =	vmul.f32 v42, v35;
	v40 =	vld [tilespmem:$0x4280];
	v24 =	vmul.f32 v62, v35  }
0xa0: {  	v62 =	vmul.f32 v50, v33;
	v52 =	vmul.f32 v39, v31;
	v12 =	vadd.f32 v61, v60;
	v61 =	vld [tilespmem:$0x2D00]  }
0xa1: {  	v50 =	vld [tilespmem:$0x4D80];
	v25 =	vmul.f32 v25, v41;
	v7 =	vadd.f32 v54, v7;
	v23 =	vadd.f32 v55, v14  }
0xa2: {  	v14 =	vld [tilespmem:$0x4680];
	v54 =	vmul.f32 v51, v38;
	v12 =	vadd.f32 v26, v12;
	v26 =	vadd.f32 v53, v15  }
0xa3: {  	v60 =	vld [tilespmem:$0x4D00];
	v17 =	vmax.f32 v17, $0.0e+00;
	v7 =	vadd.f32 v56, v7;
	v23 =	vadd.f32 v28, v23  }
0xa4: {  	v55 =	vld [tilespmem:$0x3100];
	v10 =	vmul.f32 v10, v17;
	v56 =	vmul.f32 v32, v33;
	v16 =	vadd.f32 v16, v26  }
0xa5: {  	v53 =	vld [tilespmem:$0x2F80];
	v7 =	vadd.f32 v57, v7;
	v23 =	vadd.f32 v58, v23;
	v28 =	vmul.f32 v61, v9  }
0xa6: {  	v42 =	vld [tilespmem:$0x3500];
	v12 =	vmax.f32 v12, $0.0e+00;
	v9 =	vmul.f32 v46, v9;
	v61 =	vmul.f32 v63, v29  }
0xa7: {  	v57 =	vld [tilespmem:$0x3180];
	v6 =	vmul.f32 v6, v12;
	v14 =	vmul.f32 v14, v17;
	v23 =	vadd.f32 v24, v23  }
0xa8: {  	v58 =	vld [tilespmem:$0x3300];
	v7 =	vadd.f32 v59, v7;
	v16 =	vadd.f32 v20, v16;
	v20 =	vmax.f32 v44, $0.0e+00  }
0xa9: {  	v46 =	vld [tilespmem:$0x3700];
	v44 =	vmul.f32 v55, v22;
	v60 =	vadd.f32 v28, v60;
	v23 =	vadd.f32 v45, v23  }
0xaa: {  	v9 =	vadd.f32 v9, v50;
	v63 =	vmul.f32 v53, v29;
	v7 =	vadd.f32 v62, v7;
	v62 =	vld [tilespmem:$0x3380]  }
0xab: {  	v19 =	vmul.f32 v19, v20;
	v16 =	vadd.f32 v21, v16;
	v45 =	vld [tilespmem:$0x3580];
	v23 =	vadd.f32 v52, v23  }
0xac: {  	v39 =	vld [tilespmem:$0x4100];
	v9 =	vadd.f32 v63, v9;
	v22 =	vmul.f32 v57, v22;
	v7 =	vadd.f32 v48, v7  }
0xad: {  	v51 =	vld [tilespmem:$0x3900];
	v11 =	vmul.f32 v58, v36;
	v59 =	vadd.f32 v56, v23;
	v23 =	vadd.f32 v61, v60  }
0xae: {  	v48 =	vld [tilespmem:$0x3780];
	v52 =	vmul.f32 v42, v35;
	v57 =	vmul.f32 v46, v30;
	v16 =	vmax.f32 v16, $0.0e+00  }
0xaf: {  	v55 =	vld [tilespmem:$0x3B00];
	v9 =	vadd.f32 v22, v9;
	v50 =	vmul.f32 v62, v36;
	v47 =	vadd.f32 v44, v23  }
0xb0: {  	v53 =	vld [tilespmem:$0x3980];
	v7 =	vadd.f32 v54, v7;
	v54 =	vmul.f32 v45, v35;
	v21 =	vadd.f32 v25, v59  }
0xb1: {  	v58 =	vld [tilespmem:$0x3B80];
	v25 =	vmax.f32 v49, $0.0e+00;
	v9 =	vadd.f32 v50, v9;
	v11 =	vadd.f32 v11, v47  }
0xb2: {  	v15 =	vld [tilespmem:$0x4480];
	v5 =	vmul.f32 v5, v16;
	v7 =	vadd.f32 v19, v7;
	v0 =	vmul.f32 v0, v25  }
0xb3: {  	v63 =	vld [tilespmem:$0x3D80];
	v60 =	vmul.f32 v48, v30;
	v59 =	vadd.f32 v54, v9;
	v11 =	vadd.f32 v52, v11  }
0xb4: {  	v56 =	vmul.f32 v34, v38;
	v61 =	vld [tilespmem:$0x3D00];
	v62 =	vmul.f32 v51, v31;
	v0 =	vadd.f32 v0, v7  }
0xb5: {  	v32 =	vld [tilespmem:$0x3F00];
	v31 =	vmul.f32 v53, v31;
	v7 =	vadd.f32 v60, v59;
	v11 =	vadd.f32 v57, v11  }
0xb6: {  	v34 =	vmul.f32 v55, v33;
	v35 =	vld [tilespmem:$0x3F80];
	v37 =	vmul.f32 v58, v33  }
0xb7: {  	v46 =	vld [tilespmem:$0x4A80];
	v9 =	vmax.f32 v18, $0.0e+00;
	v7 =	vadd.f32 v31, v7;
	v11 =	vadd.f32 v62, v11  }
0xb8: {  	v44 =	vld [tilespmem:$0x4180];
	v45 =	vmul.f32 v63, v41;
	v8 =	vmul.f32 v8, v9  }
0xb9: {  	v48 =	vld [tilespmem:$0x4300];
	v43 =	vmul.f32 v61, v41;
	v7 =	vadd.f32 v37, v7;
	v42 =	vadd.f32 v34, v11  }
0xba: {  	v36 =	vmul.f32 v27, v20;
	v50 =	vld [tilespmem:$0x4380];
	v47 =	vmul.f32 v32, v38;
	v0 =	vadd.f32 v8, v0  }
0xbb: {  	v53 =	vld [tilespmem:$0x4500];
	v49 =	vmul.f32 v35, v38;
	v7 =	vadd.f32 v45, v7;
	v8 =	vadd.f32 v43, v42  }
0xbc: {  	v55 =	vld [tilespmem:$0x4580];
	v51 =	vmul.f32 v40, v25;
	v21 =	vadd.f32 v56, v21;
	v52 =	vmul.f32 v39, v20  }
0xbd: {  	v56 =	vld [tilespmem:$0x4700];
	v54 =	vmul.f32 v44, v20;
	v7 =	vadd.f32 v49, v7;
	v8 =	vadd.f32 v47, v8  }
0xbe: {  	v58 =	vld [tilespmem:$0x4780];
	v32 =	vmul.f32 v13, v12;
	v18 =	vadd.f32 v36, v21;
	v57 =	vmul.f32 v48, v25  }
0xbf: {  	v60 =	vld [tilespmem:$0x4900];
	v59 =	vmul.f32 v50, v25;
	v7 =	vadd.f32 v54, v7;
	v8 =	vadd.f32 v52, v8  }
0xc0: {  	v15 =	vmul.f32 v15, v9;
	v61 =	vmul.f32 v53, v9;
	v18 =	vadd.f32 v51, v18;
	v62 =	vld [tilespmem:$0x4980]  }
0xc1: {  	v63 =	vld [tilespmem:$0x4B00];
	v9 =	vmul.f32 v55, v9;
	v7 =	vadd.f32 v59, v7;
	v8 =	vadd.f32 v57, v8  }
0xc2: {  	v30 =	vld [tilespmem:$0x4B80];
	v29 =	vmul.f32 v56, v17;
	v0 =	vadd.f32 v10, v0;
	v15 =	vadd.f32 v15, v18  }
0xc3: {  	v31 =	vmul.f32 v58, v17;
	v7 =	vadd.f32 v9, v7;
	v28 =	vadd.f32 v61, v8  }
0xc4: {  	v0 =	vadd.f32 v6, v0;
	v14 =	vadd.f32 v14, v15;
	v33 =	vmul.f32 v60, v12  }
0xc5: {  	v34 =	vmul.f32 v62, v12;
	v7 =	vadd.f32 v31, v7;
	v6 =	vadd.f32 v29, v28  }
0xc6: {  	v35 =	vmul.f32 v46, v16;
	v36 =	vmul.f32 v63, v16;
	v10 =	vadd.f32 v32, v14  }
0xc7: {  	v37 =	vmul.f32 v30, v16;
	v7 =	vadd.f32 v34, v7;
	v6 =	vadd.f32 v33, v6  }
0xc8: {  	v0 =	vadd.f32 v5, v0;
	v38 =	vadd.f32 v35, v10  }
0xc9: {  	v7 =	vadd.f32 v37, v7;
	v6 =	vadd.f32 v36, v6;
	_ =	sdelay $0x1  }
0xca: {  	v39 =	vmax.f32 v0, v38;
	v9 =	vmax.f32 v6, v7  }
0xcb: {  	v8 =	vmax.f32 v39, v9  }
0xcc: {  	v0 =	vsub.f32 v0, v8  }
0xcd: {  	v5 =	vsub.f32 v38, v8  }
0xce: {  	v0 =	vmul.f32 $1.442695020e+00, v0  }
0xcf: {  	v6 =	vsub.f32 v6, v8;
	v5 =	vmul.f32 $1.442695020e+00, v5  }
0xd0: {  	(erf) = vpow2.f32 v0  }
0xd1: {  	v41 =	vsub.f32 v7, v8;
	v40 =	vmul.f32 $1.442695020e+00, v6;
	(erf) = vpow2.f32 v5;
	_ =	sdelay $0x1  }
0xd2: {  	v42 =	vmul.f32 $1.442695020e+00, v41;
	(erf) = vpow2.f32 v40;
	_ =	sdelay $0x1  }
0xd3: {  	(erf) = vpow2.f32 v42;
	_ =	sdelay $0x3  }
0xd4: {  	v43 =	vpop (erf)  }
0xd5: {  	v44 =	vpop (erf)  }
0xd6: {  	v45 =	vadd.f32 v44, v43  }
0xd7: {  	v46 =	vpop (erf)  }
0xd8: {  	v6 =	vadd.f32 v45, v46  }
0xd9: {  	v47 =	vpop (erf)  }
0xda: {  	v6 =	vadd.f32 v6, v47;
	_ =	sdelay $0x1  }
0xdb: {  	(erf) = vrcp.f32 v6;
	_ =	sdelay $0x8  }
0xdc: {  	v6 =	vpop (erf)  }
0xdd: {  	v0 =	vmul.f32 v6, v43;
	v5 =	vmul.f32 v6, v44  }
0xde: {  	v7 =	vmul.f32 v6, v46;
	v6 =	vmul.f32 v6, v47;
	_ =	sdelay $0x1  }
0xdf: {  	v48 =	vmax.f32 v0, v5;
	v49 =	vmax.f32 v7, v6  }
0xe0: {  	v8 =	vmax.f32 v48, v49  }
0xe1: {  	v50 =	vimm.s32 $0x4;
	vm0 =	veq.f32 v6, v8  }
0xe2: {  	vm9 =	veq.f32 v7, v8;
	v51 =	vsel vm0, $0x3, v50  }
0xe3: {  	vm10 =	veq.f32 v5, v8;
	v9 =	vsel vm9, $0x2, v51  }
0xe4: {  	vm1 =	veq.f32 v0, v8;
	v9 =	vsel vm10, $0x1, v9  }
0xe5: {  	vm2 =	vne.f32 v0, v8;
	v53 =	vsel vm1, $0xBF800000, v0;
	v52 =	vsel vm1, $0x0, v9  }
0xe6: {  	vm0 =	vmand vm2, vm10;
	vm11 =	veq.s32 v52, $0x2;
	vm3 =	veq.s32 v52, $0x3  }
0xe7: {  	v54 =	vsel vm0, $0xBF800000, v5;
	v55 =	vsel vm11, $0xBF800000, v7;
	v56 =	vsel vm3, $0xBF800000, v6  }
0xe8: {  	v57 =	vmax.f32 v53, v54;
	v58 =	vmax.f32 v55, v56  }
0xe9: {  	v13 =	vmax.f32 v57, v58  }
0xea: {  	vm4 =	veq.f32 v56, v13  }
0xeb: {  	vm12 =	veq.f32 v55, v13;
	v12 =	vsel vm4, $0x3, v50  }
0xec: {  	vm13 =	veq.f32 v54, v13;
	vm5 =	vne.f32 v53, v13;
	v11 =	vsel vm12, $0x2, v12  }
0xed: {  	vm6 =	veq.f32 v53, v13;
	vm4 =	vmand vm5, vm13;
	v10 =	vsel vm13, $0x1, v11  }
0xee: {  	vm1 =	vmor vm1, vm6;
	vm0 =	vmor vm0, vm4;
	v9 =	vsel vm6, $0x0, v10  }
0xef: {  	v0 =	vnsel vm1, $0x0, v0;
	v5 =	vnsel vm0, $0x0, v5;
	vm14 =	veq.s32 v9, $0x2  }
0xf0: {  	v59 =	vadd.f32 v5, v0;
	vm0 =	vmor vm11, vm14  }
0xf1: {  	vm15 =	veq.s32 v9, $0x3;
	v7 =	vnsel vm0, $0x0, v7  }
0xf2: {  	vm0 =	vmor vm3, vm15;
	v10 =	vadd.f32 v7, v59  }
0xf3: {  	v6 =	vnsel vm0, $0x0, v6  }
0xf4: {  	v10 =	vadd.f32 v10, v6;
	_ =	sdelay $0x1  }
0xf5: {  	v10 =	vadd.f32 $9.999999930e-09, v10;
	_ =	sdelay $0x1  }
0xf6: {  	(erf) = vrcp.f32 v10;
	_ =	sdelay $0x8  }
0xf7: {  	v10 =	vpop (erf)  }
0xf8: {  	[tilespmem:$0x4E00] =	vst v1;
	v0 =	vmul.f32 v10, v0;
	v5 =	vmul.f32 v10, v5  }
0xf9: {  	[tilespmem:$0x4E80] =	vst v2;
	v7 =	vmul.f32 v10, v7  }
0xfa: {  	[tilespmem:$0x5000] =	vst v0;
	v0 =	vmul.f32 v0, v1;
	v60 =	vmul.f32 v5, v2  }
0xfb: {  	[tilespmem:$0x4F00] =	vst v3  }
0xfc: {  	[tilespmem:$0x4F80] =	vst v4;
	v61 =	vmul.f32 v10, v6;
	v62 =	vmul.f32 v7, v3;
	v0 =	vadd.f32 v60, v0  }
0xfd: {  	[tilespmem:$0x5200] =	vst v52  }
0xfe: {  	[tilespmem:$0x5280] =	vst v9;
	v63 =	vmul.f32 v61, v4;
	v0 =	vadd.f32 v0, v62  }
0xff: {  	[tilespmem:$0x5080] =	vst v5  }
0x100: {  	[tilespmem:$0x5100] =	vst v7;
	v0 =	vadd.f32 v0, v63  }
0x101: {  	[tilespmem:$0x5180] =	vst v61  }
0x102: {  	[tilespmem:$0x5300] =	vst v0  }
0x103: {  	[hbm4b:s2+s12] =	stream.linear.scatter [tilespmem:s18], [sflag:$0x2], $0x200, $0x38;
	[tilespmem:$0x5600] =	vst v63  }
0x104: {  	_ = 	snop  }
0x105: {  	[hbm4b:s4+s12] =	stream.linear.scatter [tilespmem:s19], [sflag:$0x2], $0x200, $0x38;
	[tilespmem:$0x5600] =	vst v63  }
0x106: {  	_ = 	snop  }
0x107: {  	[hbm4b:s6+s12] =	stream.linear.scatter [tilespmem:s20], [sflag:$0x2], $0x100, $0x38;
	[tilespmem:$0x5600] =	vst v63  }
0x108: {  	_ = 	snop  }
0x109: {  	[hbm4b:s7+s12] =	stream.linear.scatter [tilespmem:s21], [sflag:$0x2], $0x80, $0x38;
	[tilespmem:$0x5600] =	vst v63  }
0x10a: {  	_ =	swait.ge [sflag:s22], $0x200  }
0x10b: {  	[sflag:s22] =	ssyncset.done $0x0  }
0x10c: {  	[sflag:s22] =	ssyncadd.s32 $0xFFFFFE00  }
0x10d: {  	_ =	swait.ge [sflag:s22], $0x200  }
0x10e: {  	[sflag:s22] =	ssyncset.done $0x0  }
0x10f: {  	[sflag:s22] =	ssyncadd.s32 $0xFFFFFE00  }
0x110: {  	p0 =	sne.s32 s11, $0x1;
	_ =	swait.ge [sflag:s22], $0x100  }
.Ltmp1:
0x111: {  	[sflag:s22] =	ssyncset.done $0x0;
	(pc) =	sbr.rel @p0 .LBB2_2-.Ltmp1, $4  }
0x112: {  	[sflag:s22] =	ssyncadd.s32 $0xFFFFFF00  }
0x113: {  	_ =	swait.ge [sflag:s22], $0x80  }
0x114: {  	[sflag:s22] =	ssyncset.done $0x0  }
0x115: {  	s11 =	sadd.s32 $0xFFFFFFFF, s11;
	[sflag:s22] =	ssyncadd.s32 $0xFFFFFF80  }
.LBB2_3:
0x116: {  	_ =	sfence.sel $0x180000  }
0x117: {  	[bflag:$0x0] =	sbarrier.arrive $0xFFFF  }
0x118: {  	p0 =	sne.s32 s3, $0x0;
	_ =	strace $0x90000047  }
0x119: {  	s0 =	sadd.s32 @!p0 $0x100000, s5;
	[bflag:$0x2] =	sbarrier.arrive $0xFFFF  }
0x11a: {  	[sflag:s0] =	ssyncadd.tile.s32 @!p0 $0x1;
	_ =	shalt  }
.Lfunc_end2:
_tile_overlayer_lowered:
.L_overlay_start_2:
0x11b: {  	(tag) =	ssettag $0x2  }
0x11c: {  	s0 =	rddreg [dreg:$0x0];
	s2 =	stileid.u32  }
0x11d: {  	s1 =	rddreg [dreg:$0x1];
	p0 =	sne.s32 s2, $0x0  }
0x11e: {  	s3 =	rddreg [dreg:$0x2];
	[bflag:$0x3] =	sbarrier.arrive $0xFFFF;
	s2 =	simm.s32 @!p0 $0x1C03  }
0x11f: {  	[timem:s3], [sflag:s2] =	dma.local @!p0 [hbm:s0], s1  }
0x120: {  	s0 =	simm.s32 @!p0 $0x3  }
0x121: {  	_ =	swait.ge @!p0 [sflag:s0], s1  }
0x122: {  	s1 =	ssub.s32 @!p0 $0x0, s1;
	[sflag:s0] =	ssyncset.done @!p0 $0x0  }
0x123: {  	[sflag:s0] =	ssyncadd.s32 @!p0 s1  }
0x124: {  	[bflag:$0x3] =	sbarrier.arrive $0xFFFF  }
0x125: {  	_ =	shalt  }

</sc_bundles>
